<compile_context>
chip_gen: v7x
topology: tpu7x:2x2x1
jax: 0.10.2.dev20260603
libtpu: 0.0.44.dev20260713+nightly
codegen_flags: <defaults>
</compile_context>

<pallas_src>
import functools

import jax
import jax.numpy as jnp
import numpy as np
from jax import lax
from jax.experimental import pallas as pl
from jax.experimental.pallas import tpu as pltpu
from jax.experimental.pallas import tpu_sc as plsc

B = 16384
D = 1024
NC = 2
NS = 16
NW = NC * NS
ROWS_PER_W = B // NW
CHUNK = 16
NCHUNK = ROWS_PER_W // CHUNK
NBUF = 4
LA = 2
YCHUNK = 128
NYCHUNK = ROWS_PER_W // YCHUNK

_mesh = plsc.VectorSubcoreMesh(core_axis_name="c", subcore_axis_name="s")



def _rotl(x, d):
    return ((x << np.uint32(d)) | (x >> np.uint32(32 - d))).astype(np.uint32)


def _threefry2x32_raw(k0, k1, x0, x1):
    rotations = ((13, 15, 26, 6), (17, 29, 16, 24))
    ks = (np.uint32(k0), np.uint32(k1),
          np.uint32(k0) ^ np.uint32(k1) ^ np.uint32(0x1BD11BDA))
    x0 = (x0 + ks[0]).astype(np.uint32)
    x1 = (x1 + ks[1]).astype(np.uint32)
    for i in range(5):
        for r in rotations[i % 2]:
            x0 = (x0 + x1).astype(np.uint32)
            x1 = _rotl(x1, r)
            x1 = x1 ^ x0
        x0 = (x0 + ks[(i + 1) % 3]).astype(np.uint32)
        x1 = (x1 + ks[(i + 2) % 3] + np.uint32(i + 1)).astype(np.uint32)
    return x0, x1


def _random_bits(k0, k1, n):
    b1, b2 = _threefry2x32_raw(
        k0, k1, np.zeros(n, dtype=np.uint32), np.arange(n, dtype=np.uint32))
    return b1 ^ b2


def _split(k0, k1):
    b1, b2 = _threefry2x32_raw(
        k0, k1, np.zeros(2, dtype=np.uint32), np.arange(2, dtype=np.uint32))
    return (b1[0], b2[0]), (b1[1], b2[1])


def _permutation_key42(n):
    key = (np.uint32(0), np.uint32(42))
    x = np.arange(n, dtype=np.int32)
    num_rounds = int(np.ceil(3 * np.log(max(1, n)) / np.log(2**32 - 1)))
    for _ in range(num_rounds):
        key, subkey = _split(*key)
        order = np.argsort(_random_bits(subkey[0], subkey[1], n), kind="stable")
        x = x[order]
    return x


_INDEX_T = _permutation_key42(B)


@functools.partial(
    pl.kernel,
    mesh=_mesh,
    out_type=[
        jax.ShapeDtypeStruct((B, D), jnp.float32),
        jax.ShapeDtypeStruct((B,), jnp.int32),
    ],
    scratch_types=[
        pltpu.VMEM((ROWS_PER_W,), jnp.int32),
        pltpu.VMEM((CHUNK, D), jnp.float32),
        pltpu.VMEM((CHUNK, D), jnp.float32),
        pltpu.VMEM((CHUNK, D), jnp.float32),
        pltpu.VMEM((CHUNK, D), jnp.float32),
        pltpu.VMEM((ROWS_PER_W,), jnp.int32),
        pltpu.SemaphoreType.DMA,
        pltpu.SemaphoreType.DMA,
        pltpu.SemaphoreType.DMA,
        pltpu.SemaphoreType.DMA,
        pltpu.SemaphoreType.DMA,
        pltpu.SemaphoreType.DMA,
        pltpu.SemaphoreType.DMA,
        pltpu.SemaphoreType.DMA,
        pltpu.SemaphoreType.DMA,
    ],
)
def _permute_gather(xt_hbm, yt_hbm, idx_hbm, outx_hbm, outy_hbm,
                    idx_v, buf0, buf1, buf2, buf3, y_v,
                    gsem0, gsem1, gsem2, gsem3,
                    osem0, osem1, osem2, osem3, ysem):
    wid = lax.axis_index("s") * NC + lax.axis_index("c")
    base = wid * ROWS_PER_W

    pltpu.sync_copy(idx_hbm.at[pl.ds(base, ROWS_PER_W)], idx_v)

    bufs = (buf0, buf1, buf2, buf3)
    gsems = (gsem0, gsem1, gsem2, gsem3)
    osems = (osem0, osem1, osem2, osem3)

    def idx_slice(c):
        return idx_v.at[pl.ds(c * CHUNK, CHUNK)]

    def out_slice(c):
        return outx_hbm.at[pl.ds(base + c * CHUNK, CHUNK)]

    def g_issue(c, b):
        pltpu.async_copy(xt_hbm.at[idx_slice(c)], bufs[b], gsems[b])

    def g_wait(c, b):
        pltpu.make_async_copy(xt_hbm.at[idx_slice(c)], bufs[b], gsems[b]).wait()

    def w_issue(c, b):
        pltpu.async_copy(bufs[b], out_slice(c), osems[b])

    def w_wait(c, b):
        pltpu.make_async_copy(bufs[b], out_slice(c), osems[b]).wait()

    y_descs = [
        pltpu.async_copy(
            yt_hbm.at[idx_v.at[pl.ds(t * YCHUNK, YCHUNK)]],
            y_v.at[pl.ds(t * YCHUNK, YCHUNK)],
            ysem,
        )
        for t in range(NYCHUNK)
    ]

    def round_c(c, b):
        cc = c + LA
        if isinstance(c, int):
            if cc < NCHUNK:
                if cc >= NBUF:
                    w_wait(cc - NBUF, cc % NBUF)
                g_issue(cc, cc % NBUF)
        else:
            b2 = (b + LA) % NBUF
            w_wait(cc - NBUF, b2)
            g_issue(cc, b2)
        g_wait(c, b)
        w_issue(c, b)

    NGROUP = (NCHUNK - LA) // NBUF
    for c in range(LA):
        g_issue(c, c)
    for b in range(NBUF):
        round_c(b, b)

    def body(g, carry):
        for b in range(NBUF):
            round_c(g * NBUF + b, b)
        return carry

    lax.fori_loop(1, NGROUP, body, 0)

    for c in range(NGROUP * NBUF, NCHUNK):
        round_c(c, c % NBUF)
    for c in range(NCHUNK - NBUF, NCHUNK):
        w_wait(c, c % NBUF)

    for d in y_descs:
        d.wait()
    pltpu.sync_copy(y_v, outy_hbm.at[pl.ds(base, ROWS_PER_W)])


def kernel(x_s, x_t, y_s, y_t):
    del x_s
    index_t = jnp.asarray(_INDEX_T)
    mixed_x, y_a = _permute_gather(x_t, y_t.astype(jnp.int32), index_t)
    return (mixed_x, y_a.astype(y_t.dtype), y_s, jnp.float32(1.0))

# --- scband reference (transcript-rebuilt; emitter-appended) ---
"""Pipeline reference for scband-data-generator-75222057222622 (READ-ONLY COPY).

The authoritative reference and input builder live on the scoring server;
editing this copy changes nothing except your own understanding.
"""

import jax, jax.numpy as jnp
import numpy as np

ALPHA = 1.0
LO = 0.0
HI = 1.0
MAX_ITERS = 1000.0
SUP = 10.0
ITER_NUM = 0  # module state at first forward call


def _coeff():
    return SUP * np.float64(2.0 * (HI - LO) / (1.0 + np.exp(-ALPHA * ITER_NUM / MAX_ITERS)) - (HI - LO) + LO)


def _lam_t(a, b):
    # torch module samples np.random.beta(a,b) when a>0 and b>0, else lam_t=1.
    # At iter_num=0 coeff==0 so a==0 and the deterministic branch (lam_t=1) is taken.
    if a > 0 and b > 0:
        return float(np.random.default_rng(0).beta(a, b))
    return 1.0


def setup_inputs(seed: int = 0) -> dict:
    key = jax.random.key(seed)
    k1, k2, k3, k4 = jax.random.split(key, 4)
    x_s = jax.random.normal(k1, (16384, 1024), dtype=jnp.float32)
    x_t = jax.random.normal(k2, (16384, 1024), dtype=jnp.float32)
    y_s = jax.random.randint(k3, (16384,), 0, 1000, dtype=jnp.int64) if jax.config.jax_enable_x64 else jax.random.randint(k3, (16384,), 0, 1000).astype(jnp.int32)
    y_t = jax.random.randint(k4, (16384,), 0, 1000, dtype=jnp.int64) if jax.config.jax_enable_x64 else jax.random.randint(k4, (16384,), 0, 1000).astype(jnp.int32)
    return {"x_s": x_s, "x_t": x_t, "y_s": y_s, "y_t": y_t}


def reference(x_s, x_t, y_s, y_t):
    coeff = _coeff()
    a = coeff
    b = SUP - coeff
    lam_t = _lam_t(a, b)
    batch_size = x_s.shape[0]
    # torch.randperm -> fixed-key jax permutation (randomness pinned for determinism)
    index_t = jax.random.permutation(jax.random.key(42), batch_size)
    mixed_x = lam_t * jnp.take(x_t, index_t, axis=0) + (1.0 - lam_t) * x_s
    y_a = jnp.take(y_t, index_t, axis=0)
    y_b = y_s
    return (mixed_x, y_a, y_b, jnp.float32(lam_t))

if __name__ == "__main__":
    import jax
    _d = setup_inputs()
    print(jax.jit(kernel)(*tuple(_d.values())))

</pallas_src>

<mosaic_0001>
#map = affine_map<(d0, d1) -> (0, 0)>
#map1 = affine_map<(d0, d1) -> (0)>
module attributes {stable_mosaic.version = 14 : i64} {
  func.func @_permute_gather(%arg0: i32, %arg1: i32, %arg2: memref<16384x1024xf32, #tpu.memory_space<hbm>>, %arg3: memref<16384xi32, #tpu.memory_space<hbm>>, %arg4: memref<16384xi32, #tpu.memory_space<hbm>>, %arg5: memref<16384x1024xf32, #tpu.memory_space<hbm>>, %arg6: memref<16384xi32, #tpu.memory_space<hbm>>, %arg7: memref<512xi32, #tpu.memory_space<vmem>>, %arg8: memref<16x1024xf32, #tpu.memory_space<vmem>>, %arg9: memref<16x1024xf32, #tpu.memory_space<vmem>>, %arg10: memref<16x1024xf32, #tpu.memory_space<vmem>>, %arg11: memref<16x1024xf32, #tpu.memory_space<vmem>>, %arg12: memref<512xi32, #tpu.memory_space<vmem>>, %arg13: memref<!tpu.dma_semaphore, #tpu.memory_space<semaphore_mem>>, %arg14: memref<!tpu.dma_semaphore, #tpu.memory_space<semaphore_mem>>, %arg15: memref<!tpu.dma_semaphore, #tpu.memory_space<semaphore_mem>>, %arg16: memref<!tpu.dma_semaphore, #tpu.memory_space<semaphore_mem>>, %arg17: memref<!tpu.dma_semaphore, #tpu.memory_space<semaphore_mem>>, %arg18: memref<!tpu.dma_semaphore, #tpu.memory_space<semaphore_mem>>, %arg19: memref<!tpu.dma_semaphore, #tpu.memory_space<semaphore_mem>>, %arg20: memref<!tpu.dma_semaphore, #tpu.memory_space<semaphore_mem>>, %arg21: memref<!tpu.dma_semaphore, #tpu.memory_space<semaphore_mem>>) attributes {dimension_semantics = [#tpu.dimension_semantics<core_parallel>, #tpu.dimension_semantics<subcore_parallel>], iteration_bounds = array<i64: 2, 16>, scalar_prefetch = 0 : i64, scratch_operands = 15 : i64, tpu.core_type = #tpu.core_type<sc_vector_subcore>, window_params = [{transform_indices = #map}, {transform_indices = #map1}, {transform_indices = #map1}, {transform_indices = #map}, {transform_indices = #map1}]} {
    %mul3A = arith.constant 2 : i32
    %mul3A_0 = arith.muli %arg1, %mul3A : i32
    %add3A = arith.addi %mul3A_0, %arg0 : i32
    %mul3A_1 = arith.constant 512 : i32
    %mul3A_2 = arith.muli %add3A, %mul3A_1 : i32
    "tpu.region"() ({
      %run_scoped3A = tpu.sem_alloc : memref<!tpu.dma_semaphore, #tpu.memory_space<semaphore_mem>>
      %dma_start3A_230 = tpu.memref_slice %arg4[%mul3A_2] : memref<16384xi32, #tpu.memory_space<hbm>> -> memref<512xi32, #tpu.memory_space<hbm>>
      %dma_start3A_231 = tpu.memref_slice %arg4[%mul3A_2] : memref<16384xi32, #tpu.memory_space<hbm>> -> memref<512xi32, #tpu.memory_space<hbm>>
      tpu.enqueue_dma source(%dma_start3A_231 : memref<512xi32, #tpu.memory_space<hbm>>) target(%arg7 : memref<512xi32, #tpu.memory_space<vmem>>) target_semaphore(%run_scoped3A : memref<!tpu.dma_semaphore, #tpu.memory_space<semaphore_mem>>)
      %dma_wait3A_232 = tpu.memref_slice %arg4[%mul3A_2] : memref<16384xi32, #tpu.memory_space<hbm>> -> memref<512xi32, #tpu.memory_space<hbm>>
      %dma_wait3A_233 = tpu.memref_slice %arg4[%mul3A_2] : memref<16384xi32, #tpu.memory_space<hbm>> -> memref<512xi32, #tpu.memory_space<hbm>>
      tpu.wait_dma2 semaphore(%run_scoped3A : memref<!tpu.dma_semaphore, #tpu.memory_space<semaphore_mem>>) src(%dma_wait3A_233 : memref<512xi32, #tpu.memory_space<hbm>>) dst(%arg7 : memref<512xi32, #tpu.memory_space<vmem>>)
      tpu.yield
    }) : () -> ()
    %dma_start3A = arith.constant 0 : i32
    %dma_start3A_3 = tpu.memref_slice %arg12[%dma_start3A] : memref<512xi32, #tpu.memory_space<vmem>> -> memref<128xi32, #tpu.memory_space<vmem>>
    %dma_start3A_4 = arith.constant 0 : i32
    %dma_start3A_5 = tpu.memref_slice %arg7[%dma_start3A_4] : memref<512xi32, #tpu.memory_space<vmem>> -> memref<128xi32, #tpu.memory_space<vmem>>
    %dma_start3A_6 = arith.constant 0 : i32
    %dma_start3A_7 = tpu.memref_slice %arg3[%dma_start3A_6] : memref<16384xi32, #tpu.memory_space<hbm>> -> memref<16384xi32, #tpu.memory_space<hbm>>
    tpu.enqueue_indirect_dma source(%dma_start3A_7 : memref<16384xi32, #tpu.memory_space<hbm>>) target(%dma_start3A_3 : memref<128xi32, #tpu.memory_space<vmem>>) offsets(%dma_start3A_5 : memref<128xi32, #tpu.memory_space<vmem>>) semaphore(%arg21 : memref<!tpu.dma_semaphore, #tpu.memory_space<semaphore_mem>>)
    %dma_start3A_8 = arith.constant 128 : i32
    %dma_start3A_9 = tpu.memref_slice %arg12[%dma_start3A_8] : memref<512xi32, #tpu.memory_space<vmem>> -> memref<128xi32, #tpu.memory_space<vmem>>
    %dma_start3A_10 = arith.constant 128 : i32
    %dma_start3A_11 = tpu.memref_slice %arg7[%dma_start3A_10] : memref<512xi32, #tpu.memory_space<vmem>> -> memref<128xi32, #tpu.memory_space<vmem>>
    %dma_start3A_12 = arith.constant 0 : i32
    %dma_start3A_13 = tpu.memref_slice %arg3[%dma_start3A_12] : memref<16384xi32, #tpu.memory_space<hbm>> -> memref<16384xi32, #tpu.memory_space<hbm>>
    tpu.enqueue_indirect_dma source(%dma_start3A_13 : memref<16384xi32, #tpu.memory_space<hbm>>) target(%dma_start3A_9 : memref<128xi32, #tpu.memory_space<vmem>>) offsets(%dma_start3A_11 : memref<128xi32, #tpu.memory_space<vmem>>) semaphore(%arg21 : memref<!tpu.dma_semaphore, #tpu.memory_space<semaphore_mem>>)
    %dma_start3A_14 = arith.constant 256 : i32
    %dma_start3A_15 = tpu.memref_slice %arg12[%dma_start3A_14] : memref<512xi32, #tpu.memory_space<vmem>> -> memref<128xi32, #tpu.memory_space<vmem>>
    %dma_start3A_16 = arith.constant 256 : i32
    %dma_start3A_17 = tpu.memref_slice %arg7[%dma_start3A_16] : memref<512xi32, #tpu.memory_space<vmem>> -> memref<128xi32, #tpu.memory_space<vmem>>
    %dma_start3A_18 = arith.constant 0 : i32
    %dma_start3A_19 = tpu.memref_slice %arg3[%dma_start3A_18] : memref<16384xi32, #tpu.memory_space<hbm>> -> memref<16384xi32, #tpu.memory_space<hbm>>
    tpu.enqueue_indirect_dma source(%dma_start3A_19 : memref<16384xi32, #tpu.memory_space<hbm>>) target(%dma_start3A_15 : memref<128xi32, #tpu.memory_space<vmem>>) offsets(%dma_start3A_17 : memref<128xi32, #tpu.memory_space<vmem>>) semaphore(%arg21 : memref<!tpu.dma_semaphore, #tpu.memory_space<semaphore_mem>>)
    %dma_start3A_20 = arith.constant 384 : i32
    %dma_start3A_21 = tpu.memref_slice %arg12[%dma_start3A_20] : memref<512xi32, #tpu.memory_space<vmem>> -> memref<128xi32, #tpu.memory_space<vmem>>
    %dma_start3A_22 = arith.constant 384 : i32
    %dma_start3A_23 = tpu.memref_slice %arg7[%dma_start3A_22] : memref<512xi32, #tpu.memory_space<vmem>> -> memref<128xi32, #tpu.memory_space<vmem>>
    %dma_start3A_24 = arith.constant 0 : i32
    %dma_start3A_25 = tpu.memref_slice %arg3[%dma_start3A_24] : memref<16384xi32, #tpu.memory_space<hbm>> -> memref<16384xi32, #tpu.memory_space<hbm>>
    tpu.enqueue_indirect_dma source(%dma_start3A_25 : memref<16384xi32, #tpu.memory_space<hbm>>) target(%dma_start3A_21 : memref<128xi32, #tpu.memory_space<vmem>>) offsets(%dma_start3A_23 : memref<128xi32, #tpu.memory_space<vmem>>) semaphore(%arg21 : memref<!tpu.dma_semaphore, #tpu.memory_space<semaphore_mem>>)
    %dma_start3A_26 = arith.constant 0 : i32
    %dma_start3A_27 = tpu.memref_slice %arg7[%dma_start3A_26] : memref<512xi32, #tpu.memory_space<vmem>> -> memref<16xi32, #tpu.memory_space<vmem>>
    %dma_start3A_28 = arith.constant 0 : i32
    %dma_start3A_29 = arith.constant 0 : i32
    %dma_start3A_30 = tpu.memref_slice %arg2[%dma_start3A_28, %dma_start3A_29] : memref<16384x1024xf32, #tpu.memory_space<hbm>> -> memref<16384x1024xf32, #tpu.memory_space<hbm>>
    tpu.enqueue_indirect_dma source(%dma_start3A_30 : memref<16384x1024xf32, #tpu.memory_space<hbm>>) target(%arg8 : memref<16x1024xf32, #tpu.memory_space<vmem>>) offsets(%dma_start3A_27 : memref<16xi32, #tpu.memory_space<vmem>>) semaphore(%arg13 : memref<!tpu.dma_semaphore, #tpu.memory_space<semaphore_mem>>)
    %dma_start3A_31 = arith.constant 16 : i32
    %dma_start3A_32 = tpu.memref_slice %arg7[%dma_start3A_31] : memref<512xi32, #tpu.memory_space<vmem>> -> memref<16xi32, #tpu.memory_space<vmem>>
    %dma_start3A_33 = arith.constant 0 : i32
    %dma_start3A_34 = arith.constant 0 : i32
    %dma_start3A_35 = tpu.memref_slice %arg2[%dma_start3A_33, %dma_start3A_34] : memref<16384x1024xf32, #tpu.memory_space<hbm>> -> memref<16384x1024xf32, #tpu.memory_space<hbm>>
    tpu.enqueue_indirect_dma source(%dma_start3A_35 : memref<16384x1024xf32, #tpu.memory_space<hbm>>) target(%arg9 : memref<16x1024xf32, #tpu.memory_space<vmem>>) offsets(%dma_start3A_32 : memref<16xi32, #tpu.memory_space<vmem>>) semaphore(%arg14 : memref<!tpu.dma_semaphore, #tpu.memory_space<semaphore_mem>>)
    %dma_start3A_36 = arith.constant 32 : i32
    %dma_start3A_37 = tpu.memref_slice %arg7[%dma_start3A_36] : memref<512xi32, #tpu.memory_space<vmem>> -> memref<16xi32, #tpu.memory_space<vmem>>
    %dma_start3A_38 = arith.constant 0 : i32
    %dma_start3A_39 = arith.constant 0 : i32
    %dma_start3A_40 = tpu.memref_slice %arg2[%dma_start3A_38, %dma_start3A_39] : memref<16384x1024xf32, #tpu.memory_space<hbm>> -> memref<16384x1024xf32, #tpu.memory_space<hbm>>
    tpu.enqueue_indirect_dma source(%dma_start3A_40 : memref<16384x1024xf32, #tpu.memory_space<hbm>>) target(%arg10 : memref<16x1024xf32, #tpu.memory_space<vmem>>) offsets(%dma_start3A_37 : memref<16xi32, #tpu.memory_space<vmem>>) semaphore(%arg15 : memref<!tpu.dma_semaphore, #tpu.memory_space<semaphore_mem>>)
    %dma_wait3A = arith.constant 0 : i32
    %dma_wait3A_41 = tpu.memref_slice %arg7[%dma_wait3A] : memref<512xi32, #tpu.memory_space<vmem>> -> memref<16xi32, #tpu.memory_space<vmem>>
    %dma_wait3A_42 = arith.constant 0 : i32
    %dma_wait3A_43 = arith.constant 0 : i32
    %dma_wait3A_44 = tpu.memref_slice %arg2[%dma_wait3A_42, %dma_wait3A_43] : memref<16384x1024xf32, #tpu.memory_space<hbm>> -> memref<16384x1024xf32, #tpu.memory_space<hbm>>
    tpu.wait_indirect_dma semaphore(%arg13 : memref<!tpu.dma_semaphore, #tpu.memory_space<semaphore_mem>>) src(%dma_wait3A_44 : memref<16384x1024xf32, #tpu.memory_space<hbm>>) dst(%arg8 : memref<16x1024xf32, #tpu.memory_space<vmem>>)
    %add3A_45 = arith.constant 0 : i32
    %add3A_46 = arith.addi %mul3A_2, %add3A_45 : i32
    %dma_start3A_47 = arith.constant 0 : i32
    %dma_start3A_48 = tpu.memref_slice %arg5[%add3A_46, %dma_start3A_47] : memref<16384x1024xf32, #tpu.memory_space<hbm>> -> memref<16x1024xf32, #tpu.memory_space<hbm>>
    %dma_start3A_49 = arith.constant 0 : i32
    %dma_start3A_50 = tpu.memref_slice %arg5[%add3A_46, %dma_start3A_49] : memref<16384x1024xf32, #tpu.memory_space<hbm>> -> memref<16x1024xf32, #tpu.memory_space<hbm>>
    tpu.enqueue_dma source(%arg8 : memref<16x1024xf32, #tpu.memory_space<vmem>>) target(%dma_start3A_50 : memref<16x1024xf32, #tpu.memory_space<hbm>>) target_semaphore(%arg17 : memref<!tpu.dma_semaphore, #tpu.memory_space<semaphore_mem>>)
    %dma_start3A_51 = arith.constant 48 : i32
    %dma_start3A_52 = tpu.memref_slice %arg7[%dma_start3A_51] : memref<512xi32, #tpu.memory_space<vmem>> -> memref<16xi32, #tpu.memory_space<vmem>>
    %dma_start3A_53 = arith.constant 0 : i32
    %dma_start3A_54 = arith.constant 0 : i32
    %dma_start3A_55 = tpu.memref_slice %arg2[%dma_start3A_53, %dma_start3A_54] : memref<16384x1024xf32, #tpu.memory_space<hbm>> -> memref<16384x1024xf32, #tpu.memory_space<hbm>>
    tpu.enqueue_indirect_dma source(%dma_start3A_55 : memref<16384x1024xf32, #tpu.memory_space<hbm>>) target(%arg11 : memref<16x1024xf32, #tpu.memory_space<vmem>>) offsets(%dma_start3A_52 : memref<16xi32, #tpu.memory_space<vmem>>) semaphore(%arg16 : memref<!tpu.dma_semaphore, #tpu.memory_space<semaphore_mem>>)
    %dma_wait3A_56 = arith.constant 16 : i32
    %dma_wait3A_57 = tpu.memref_slice %arg7[%dma_wait3A_56] : memref<512xi32, #tpu.memory_space<vmem>> -> memref<16xi32, #tpu.memory_space<vmem>>
    %dma_wait3A_58 = arith.constant 0 : i32
    %dma_wait3A_59 = arith.constant 0 : i32
    %dma_wait3A_60 = tpu.memref_slice %arg2[%dma_wait3A_58, %dma_wait3A_59] : memref<16384x1024xf32, #tpu.memory_space<hbm>> -> memref<16384x1024xf32, #tpu.memory_space<hbm>>
    tpu.wait_indirect_dma semaphore(%arg14 : memref<!tpu.dma_semaphore, #tpu.memory_space<semaphore_mem>>) src(%dma_wait3A_60 : memref<16384x1024xf32, #tpu.memory_space<hbm>>) dst(%arg9 : memref<16x1024xf32, #tpu.memory_space<vmem>>)
    %add3A_61 = arith.constant 16 : i32
    %add3A_62 = arith.addi %mul3A_2, %add3A_61 : i32
    %dma_start3A_63 = arith.constant 0 : i32
    %dma_start3A_64 = tpu.memref_slice %arg5[%add3A_62, %dma_start3A_63] : memref<16384x1024xf32, #tpu.memory_space<hbm>> -> memref<16x1024xf32, #tpu.memory_space<hbm>>
    %dma_start3A_65 = arith.constant 0 : i32
    %dma_start3A_66 = tpu.memref_slice %arg5[%add3A_62, %dma_start3A_65] : memref<16384x1024xf32, #tpu.memory_space<hbm>> -> memref<16x1024xf32, #tpu.memory_space<hbm>>
    tpu.enqueue_dma source(%arg9 : memref<16x1024xf32, #tpu.memory_space<vmem>>) target(%dma_start3A_66 : memref<16x1024xf32, #tpu.memory_space<hbm>>) target_semaphore(%arg18 : memref<!tpu.dma_semaphore, #tpu.memory_space<semaphore_mem>>)
    %add3A_67 = arith.constant 0 : i32
    %add3A_68 = arith.addi %mul3A_2, %add3A_67 : i32
    %dma_wait3A_69 = arith.constant 0 : i32
    %dma_wait3A_70 = tpu.memref_slice %arg5[%add3A_68, %dma_wait3A_69] : memref<16384x1024xf32, #tpu.memory_space<hbm>> -> memref<16x1024xf32, #tpu.memory_space<hbm>>
    %dma_wait3A_71 = arith.constant 0 : i32
    %dma_wait3A_72 = tpu.memref_slice %arg5[%add3A_68, %dma_wait3A_71] : memref<16384x1024xf32, #tpu.memory_space<hbm>> -> memref<16x1024xf32, #tpu.memory_space<hbm>>
    tpu.wait_dma2 semaphore(%arg17 : memref<!tpu.dma_semaphore, #tpu.memory_space<semaphore_mem>>) src(%arg8 : memref<16x1024xf32, #tpu.memory_space<vmem>>) dst(%dma_wait3A_72 : memref<16x1024xf32, #tpu.memory_space<hbm>>)
    %dma_start3A_73 = arith.constant 64 : i32
    %dma_start3A_74 = tpu.memref_slice %arg7[%dma_start3A_73] : memref<512xi32, #tpu.memory_space<vmem>> -> memref<16xi32, #tpu.memory_space<vmem>>
    %dma_start3A_75 = arith.constant 0 : i32
    %dma_start3A_76 = arith.constant 0 : i32
    %dma_start3A_77 = tpu.memref_slice %arg2[%dma_start3A_75, %dma_start3A_76] : memref<16384x1024xf32, #tpu.memory_space<hbm>> -> memref<16384x1024xf32, #tpu.memory_space<hbm>>
    tpu.enqueue_indirect_dma source(%dma_start3A_77 : memref<16384x1024xf32, #tpu.memory_space<hbm>>) target(%arg8 : memref<16x1024xf32, #tpu.memory_space<vmem>>) offsets(%dma_start3A_74 : memref<16xi32, #tpu.memory_space<vmem>>) semaphore(%arg13 : memref<!tpu.dma_semaphore, #tpu.memory_space<semaphore_mem>>)
    %dma_wait3A_78 = arith.constant 32 : i32
    %dma_wait3A_79 = tpu.memref_slice %arg7[%dma_wait3A_78] : memref<512xi32, #tpu.memory_space<vmem>> -> memref<16xi32, #tpu.memory_space<vmem>>
    %dma_wait3A_80 = arith.constant 0 : i32
    %dma_wait3A_81 = arith.constant 0 : i32
    %dma_wait3A_82 = tpu.memref_slice %arg2[%dma_wait3A_80, %dma_wait3A_81] : memref<16384x1024xf32, #tpu.memory_space<hbm>> -> memref<16384x1024xf32, #tpu.memory_space<hbm>>
    tpu.wait_indirect_dma semaphore(%arg15 : memref<!tpu.dma_semaphore, #tpu.memory_space<semaphore_mem>>) src(%dma_wait3A_82 : memref<16384x1024xf32, #tpu.memory_space<hbm>>) dst(%arg10 : memref<16x1024xf32, #tpu.memory_space<vmem>>)
    %add3A_83 = arith.constant 32 : i32
    %add3A_84 = arith.addi %mul3A_2, %add3A_83 : i32
    %dma_start3A_85 = arith.constant 0 : i32
    %dma_start3A_86 = tpu.memref_slice %arg5[%add3A_84, %dma_start3A_85] : memref<16384x1024xf32, #tpu.memory_space<hbm>> -> memref<16x1024xf32, #tpu.memory_space<hbm>>
    %dma_start3A_87 = arith.constant 0 : i32
    %dma_start3A_88 = tpu.memref_slice %arg5[%add3A_84, %dma_start3A_87] : memref<16384x1024xf32, #tpu.memory_space<hbm>> -> memref<16x1024xf32, #tpu.memory_space<hbm>>
    tpu.enqueue_dma source(%arg10 : memref<16x1024xf32, #tpu.memory_space<vmem>>) target(%dma_start3A_88 : memref<16x1024xf32, #tpu.memory_space<hbm>>) target_semaphore(%arg19 : memref<!tpu.dma_semaphore, #tpu.memory_space<semaphore_mem>>)
    %add3A_89 = arith.constant 16 : i32
    %add3A_90 = arith.addi %mul3A_2, %add3A_89 : i32
    %dma_wait3A_91 = arith.constant 0 : i32
    %dma_wait3A_92 = tpu.memref_slice %arg5[%add3A_90, %dma_wait3A_91] : memref<16384x1024xf32, #tpu.memory_space<hbm>> -> memref<16x1024xf32, #tpu.memory_space<hbm>>
    %dma_wait3A_93 = arith.constant 0 : i32
    %dma_wait3A_94 = tpu.memref_slice %arg5[%add3A_90, %dma_wait3A_93] : memref<16384x1024xf32, #tpu.memory_space<hbm>> -> memref<16x1024xf32, #tpu.memory_space<hbm>>
    tpu.wait_dma2 semaphore(%arg18 : memref<!tpu.dma_semaphore, #tpu.memory_space<semaphore_mem>>) src(%arg9 : memref<16x1024xf32, #tpu.memory_space<vmem>>) dst(%dma_wait3A_94 : memref<16x1024xf32, #tpu.memory_space<hbm>>)
    %dma_start3A_95 = arith.constant 80 : i32
    %dma_start3A_96 = tpu.memref_slice %arg7[%dma_start3A_95] : memref<512xi32, #tpu.memory_space<vmem>> -> memref<16xi32, #tpu.memory_space<vmem>>
    %dma_start3A_97 = arith.constant 0 : i32
    %dma_start3A_98 = arith.constant 0 : i32
    %dma_start3A_99 = tpu.memref_slice %arg2[%dma_start3A_97, %dma_start3A_98] : memref<16384x1024xf32, #tpu.memory_space<hbm>> -> memref<16384x1024xf32, #tpu.memory_space<hbm>>
    tpu.enqueue_indirect_dma source(%dma_start3A_99 : memref<16384x1024xf32, #tpu.memory_space<hbm>>) target(%arg9 : memref<16x1024xf32, #tpu.memory_space<vmem>>) offsets(%dma_start3A_96 : memref<16xi32, #tpu.memory_space<vmem>>) semaphore(%arg14 : memref<!tpu.dma_semaphore, #tpu.memory_space<semaphore_mem>>)
    %dma_wait3A_100 = arith.constant 48 : i32
    %dma_wait3A_101 = tpu.memref_slice %arg7[%dma_wait3A_100] : memref<512xi32, #tpu.memory_space<vmem>> -> memref<16xi32, #tpu.memory_space<vmem>>
    %dma_wait3A_102 = arith.constant 0 : i32
    %dma_wait3A_103 = arith.constant 0 : i32
    %dma_wait3A_104 = tpu.memref_slice %arg2[%dma_wait3A_102, %dma_wait3A_103] : memref<16384x1024xf32, #tpu.memory_space<hbm>> -> memref<16384x1024xf32, #tpu.memory_space<hbm>>
    tpu.wait_indirect_dma semaphore(%arg16 : memref<!tpu.dma_semaphore, #tpu.memory_space<semaphore_mem>>) src(%dma_wait3A_104 : memref<16384x1024xf32, #tpu.memory_space<hbm>>) dst(%arg11 : memref<16x1024xf32, #tpu.memory_space<vmem>>)
    %add3A_105 = arith.constant 48 : i32
    %add3A_106 = arith.addi %mul3A_2, %add3A_105 : i32
    %dma_start3A_107 = arith.constant 0 : i32
    %dma_start3A_108 = tpu.memref_slice %arg5[%add3A_106, %dma_start3A_107] : memref<16384x1024xf32, #tpu.memory_space<hbm>> -> memref<16x1024xf32, #tpu.memory_space<hbm>>
    %dma_start3A_109 = arith.constant 0 : i32
    %dma_start3A_110 = tpu.memref_slice %arg5[%add3A_106, %dma_start3A_109] : memref<16384x1024xf32, #tpu.memory_space<hbm>> -> memref<16x1024xf32, #tpu.memory_space<hbm>>
    tpu.enqueue_dma source(%arg11 : memref<16x1024xf32, #tpu.memory_space<vmem>>) target(%dma_start3A_110 : memref<16x1024xf32, #tpu.memory_space<hbm>>) target_semaphore(%arg20 : memref<!tpu.dma_semaphore, #tpu.memory_space<semaphore_mem>>)
    %scan3A = arith.constant 0 : i32
    %scan3A_111 = arith.constant 1 : i32
    %scan3A_112 = arith.constant 6 : i32
    %scan3A_113 = arith.addi %scan3A_111, %scan3A_112 : i32
    %scan3A_114 = arith.constant 1 : i32
    scf.for %scan3A_230 = %scan3A_111 to %scan3A_113 step %scan3A_114  : i32 {
      %mul3A_231 = arith.constant 4 : i32
      %mul3A_232 = arith.muli %scan3A_230, %mul3A_231 : i32
      %add3A_233 = arith.constant 0 : i32
      %add3A_234 = arith.addi %mul3A_232, %add3A_233 : i32
      %add3A_235 = arith.constant 2 : i32
      %add3A_236 = arith.addi %add3A_234, %add3A_235 : i32
      %sub3A = arith.constant 4 : i32
      %sub3A_237 = arith.subi %add3A_236, %sub3A : i32
      %mul3A_238 = arith.constant 16 : i32
      %mul3A_239 = arith.muli %sub3A_237, %mul3A_238 : i32
      %add3A_240 = arith.addi %mul3A_2, %mul3A_239 : i32
      %dma_wait3A_241 = arith.constant 0 : i32
      %dma_wait3A_242 = tpu.memref_slice %arg5[%add3A_240, %dma_wait3A_241] : memref<16384x1024xf32, #tpu.memory_space<hbm>> -> memref<16x1024xf32, #tpu.memory_space<hbm>>
      %dma_wait3A_243 = arith.constant 0 : i32
      %dma_wait3A_244 = tpu.memref_slice %arg5[%add3A_240, %dma_wait3A_243] : memref<16384x1024xf32, #tpu.memory_space<hbm>> -> memref<16x1024xf32, #tpu.memory_space<hbm>>
      tpu.wait_dma2 semaphore(%arg19 : memref<!tpu.dma_semaphore, #tpu.memory_space<semaphore_mem>>) src(%arg10 : memref<16x1024xf32, #tpu.memory_space<vmem>>) dst(%dma_wait3A_244 : memref<16x1024xf32, #tpu.memory_space<hbm>>)
      %mul3A_245 = arith.constant 16 : i32
      %mul3A_246 = arith.muli %add3A_236, %mul3A_245 : i32
      %dma_start3A_247 = tpu.memref_slice %arg7[%mul3A_246] : memref<512xi32, #tpu.memory_space<vmem>> -> memref<16xi32, #tpu.memory_space<vmem>>
      %dma_start3A_248 = arith.constant 0 : i32
      %dma_start3A_249 = arith.constant 0 : i32
      %dma_start3A_250 = tpu.memref_slice %arg2[%dma_start3A_248, %dma_start3A_249] : memref<16384x1024xf32, #tpu.memory_space<hbm>> -> memref<16384x1024xf32, #tpu.memory_space<hbm>>
      tpu.enqueue_indirect_dma source(%dma_start3A_250 : memref<16384x1024xf32, #tpu.memory_space<hbm>>) target(%arg10 : memref<16x1024xf32, #tpu.memory_space<vmem>>) offsets(%dma_start3A_247 : memref<16xi32, #tpu.memory_space<vmem>>) semaphore(%arg15 : memref<!tpu.dma_semaphore, #tpu.memory_space<semaphore_mem>>)
      %mul3A_251 = arith.constant 16 : i32
      %mul3A_252 = arith.muli %add3A_234, %mul3A_251 : i32
      %dma_wait3A_253 = tpu.memref_slice %arg7[%mul3A_252] : memref<512xi32, #tpu.memory_space<vmem>> -> memref<16xi32, #tpu.memory_space<vmem>>
      %dma_wait3A_254 = arith.constant 0 : i32
      %dma_wait3A_255 = arith.constant 0 : i32
      %dma_wait3A_256 = tpu.memref_slice %arg2[%dma_wait3A_254, %dma_wait3A_255] : memref<16384x1024xf32, #tpu.memory_space<hbm>> -> memref<16384x1024xf32, #tpu.memory_space<hbm>>
      tpu.wait_indirect_dma semaphore(%arg13 : memref<!tpu.dma_semaphore, #tpu.memory_space<semaphore_mem>>) src(%dma_wait3A_256 : memref<16384x1024xf32, #tpu.memory_space<hbm>>) dst(%arg8 : memref<16x1024xf32, #tpu.memory_space<vmem>>)
      %mul3A_257 = arith.constant 16 : i32
      %mul3A_258 = arith.muli %add3A_234, %mul3A_257 : i32
      %add3A_259 = arith.addi %mul3A_2, %mul3A_258 : i32
      %dma_start3A_260 = arith.constant 0 : i32
      %dma_start3A_261 = tpu.memref_slice %arg5[%add3A_259, %dma_start3A_260] : memref<16384x1024xf32, #tpu.memory_space<hbm>> -> memref<16x1024xf32, #tpu.memory_space<hbm>>
      %dma_start3A_262 = arith.constant 0 : i32
      %dma_start3A_263 = tpu.memref_slice %arg5[%add3A_259, %dma_start3A_262] : memref<16384x1024xf32, #tpu.memory_space<hbm>> -> memref<16x1024xf32, #tpu.memory_space<hbm>>
      tpu.enqueue_dma source(%arg8 : memref<16x1024xf32, #tpu.memory_space<vmem>>) target(%dma_start3A_263 : memref<16x1024xf32, #tpu.memory_space<hbm>>) target_semaphore(%arg17 : memref<!tpu.dma_semaphore, #tpu.memory_space<semaphore_mem>>)
      %mul3A_264 = arith.constant 4 : i32
      %mul3A_265 = arith.muli %scan3A_230, %mul3A_264 : i32
      %add3A_266 = arith.constant 1 : i32
      %add3A_267 = arith.addi %mul3A_265, %add3A_266 : i32
      %add3A_268 = arith.constant 2 : i32
      %add3A_269 = arith.addi %add3A_267, %add3A_268 : i32
      %sub3A_270 = arith.constant 4 : i32
      %sub3A_271 = arith.subi %add3A_269, %sub3A_270 : i32
      %mul3A_272 = arith.constant 16 : i32
      %mul3A_273 = arith.muli %sub3A_271, %mul3A_272 : i32
      %add3A_274 = arith.addi %mul3A_2, %mul3A_273 : i32
      %dma_wait3A_275 = arith.constant 0 : i32
      %dma_wait3A_276 = tpu.memref_slice %arg5[%add3A_274, %dma_wait3A_275] : memref<16384x1024xf32, #tpu.memory_space<hbm>> -> memref<16x1024xf32, #tpu.memory_space<hbm>>
      %dma_wait3A_277 = arith.constant 0 : i32
      %dma_wait3A_278 = tpu.memref_slice %arg5[%add3A_274, %dma_wait3A_277] : memref<16384x1024xf32, #tpu.memory_space<hbm>> -> memref<16x1024xf32, #tpu.memory_space<hbm>>
      tpu.wait_dma2 semaphore(%arg20 : memref<!tpu.dma_semaphore, #tpu.memory_space<semaphore_mem>>) src(%arg11 : memref<16x1024xf32, #tpu.memory_space<vmem>>) dst(%dma_wait3A_278 : memref<16x1024xf32, #tpu.memory_space<hbm>>)
      %mul3A_279 = arith.constant 16 : i32
      %mul3A_280 = arith.muli %add3A_269, %mul3A_279 : i32
      %dma_start3A_281 = tpu.memref_slice %arg7[%mul3A_280] : memref<512xi32, #tpu.memory_space<vmem>> -> memref<16xi32, #tpu.memory_space<vmem>>
      %dma_start3A_282 = arith.constant 0 : i32
      %dma_start3A_283 = arith.constant 0 : i32
      %dma_start3A_284 = tpu.memref_slice %arg2[%dma_start3A_282, %dma_start3A_283] : memref<16384x1024xf32, #tpu.memory_space<hbm>> -> memref<16384x1024xf32, #tpu.memory_space<hbm>>
      tpu.enqueue_indirect_dma source(%dma_start3A_284 : memref<16384x1024xf32, #tpu.memory_space<hbm>>) target(%arg11 : memref<16x1024xf32, #tpu.memory_space<vmem>>) offsets(%dma_start3A_281 : memref<16xi32, #tpu.memory_space<vmem>>) semaphore(%arg16 : memref<!tpu.dma_semaphore, #tpu.memory_space<semaphore_mem>>)
      %mul3A_285 = arith.constant 16 : i32
      %mul3A_286 = arith.muli %add3A_267, %mul3A_285 : i32
      %dma_wait3A_287 = tpu.memref_slice %arg7[%mul3A_286] : memref<512xi32, #tpu.memory_space<vmem>> -> memref<16xi32, #tpu.memory_space<vmem>>
      %dma_wait3A_288 = arith.constant 0 : i32
      %dma_wait3A_289 = arith.constant 0 : i32
      %dma_wait3A_290 = tpu.memref_slice %arg2[%dma_wait3A_288, %dma_wait3A_289] : memref<16384x1024xf32, #tpu.memory_space<hbm>> -> memref<16384x1024xf32, #tpu.memory_space<hbm>>
      tpu.wait_indirect_dma semaphore(%arg14 : memref<!tpu.dma_semaphore, #tpu.memory_space<semaphore_mem>>) src(%dma_wait3A_290 : memref<16384x1024xf32, #tpu.memory_space<hbm>>) dst(%arg9 : memref<16x1024xf32, #tpu.memory_space<vmem>>)
      %mul3A_291 = arith.constant 16 : i32
      %mul3A_292 = arith.muli %add3A_267, %mul3A_291 : i32
      %add3A_293 = arith.addi %mul3A_2, %mul3A_292 : i32
      %dma_start3A_294 = arith.constant 0 : i32
      %dma_start3A_295 = tpu.memref_slice %arg5[%add3A_293, %dma_start3A_294] : memref<16384x1024xf32, #tpu.memory_space<hbm>> -> memref<16x1024xf32, #tpu.memory_space<hbm>>
      %dma_start3A_296 = arith.constant 0 : i32
      %dma_start3A_297 = tpu.memref_slice %arg5[%add3A_293, %dma_start3A_296] : memref<16384x1024xf32, #tpu.memory_space<hbm>> -> memref<16x1024xf32, #tpu.memory_space<hbm>>
      tpu.enqueue_dma source(%arg9 : memref<16x1024xf32, #tpu.memory_space<vmem>>) target(%dma_start3A_297 : memref<16x1024xf32, #tpu.memory_space<hbm>>) target_semaphore(%arg18 : memref<!tpu.dma_semaphore, #tpu.memory_space<semaphore_mem>>)
      %mul3A_298 = arith.constant 4 : i32
      %mul3A_299 = arith.muli %scan3A_230, %mul3A_298 : i32
      %add3A_300 = arith.constant 2 : i32
      %add3A_301 = arith.addi %mul3A_299, %add3A_300 : i32
      %add3A_302 = arith.constant 2 : i32
      %add3A_303 = arith.addi %add3A_301, %add3A_302 : i32
      %sub3A_304 = arith.constant 4 : i32
      %sub3A_305 = arith.subi %add3A_303, %sub3A_304 : i32
      %mul3A_306 = arith.constant 16 : i32
      %mul3A_307 = arith.muli %sub3A_305, %mul3A_306 : i32
      %add3A_308 = arith.addi %mul3A_2, %mul3A_307 : i32
      %dma_wait3A_309 = arith.constant 0 : i32
      %dma_wait3A_310 = tpu.memref_slice %arg5[%add3A_308, %dma_wait3A_309] : memref<16384x1024xf32, #tpu.memory_space<hbm>> -> memref<16x1024xf32, #tpu.memory_space<hbm>>
      %dma_wait3A_311 = arith.constant 0 : i32
      %dma_wait3A_312 = tpu.memref_slice %arg5[%add3A_308, %dma_wait3A_311] : memref<16384x1024xf32, #tpu.memory_space<hbm>> -> memref<16x1024xf32, #tpu.memory_space<hbm>>
      tpu.wait_dma2 semaphore(%arg17 : memref<!tpu.dma_semaphore, #tpu.memory_space<semaphore_mem>>) src(%arg8 : memref<16x1024xf32, #tpu.memory_space<vmem>>) dst(%dma_wait3A_312 : memref<16x1024xf32, #tpu.memory_space<hbm>>)
      %mul3A_313 = arith.constant 16 : i32
      %mul3A_314 = arith.muli %add3A_303, %mul3A_313 : i32
      %dma_start3A_315 = tpu.memref_slice %arg7[%mul3A_314] : memref<512xi32, #tpu.memory_space<vmem>> -> memref<16xi32, #tpu.memory_space<vmem>>
      %dma_start3A_316 = arith.constant 0 : i32
      %dma_start3A_317 = arith.constant 0 : i32
      %dma_start3A_318 = tpu.memref_slice %arg2[%dma_start3A_316, %dma_start3A_317] : memref<16384x1024xf32, #tpu.memory_space<hbm>> -> memref<16384x1024xf32, #tpu.memory_space<hbm>>
      tpu.enqueue_indirect_dma source(%dma_start3A_318 : memref<16384x1024xf32, #tpu.memory_space<hbm>>) target(%arg8 : memref<16x1024xf32, #tpu.memory_space<vmem>>) offsets(%dma_start3A_315 : memref<16xi32, #tpu.memory_space<vmem>>) semaphore(%arg13 : memref<!tpu.dma_semaphore, #tpu.memory_space<semaphore_mem>>)
      %mul3A_319 = arith.constant 16 : i32
      %mul3A_320 = arith.muli %add3A_301, %mul3A_319 : i32
      %dma_wait3A_321 = tpu.memref_slice %arg7[%mul3A_320] : memref<512xi32, #tpu.memory_space<vmem>> -> memref<16xi32, #tpu.memory_space<vmem>>
      %dma_wait3A_322 = arith.constant 0 : i32
      %dma_wait3A_323 = arith.constant 0 : i32
      %dma_wait3A_324 = tpu.memref_slice %arg2[%dma_wait3A_322, %dma_wait3A_323] : memref<16384x1024xf32, #tpu.memory_space<hbm>> -> memref<16384x1024xf32, #tpu.memory_space<hbm>>
      tpu.wait_indirect_dma semaphore(%arg15 : memref<!tpu.dma_semaphore, #tpu.memory_space<semaphore_mem>>) src(%dma_wait3A_324 : memref<16384x1024xf32, #tpu.memory_space<hbm>>) dst(%arg10 : memref<16x1024xf32, #tpu.memory_space<vmem>>)
      %mul3A_325 = arith.constant 16 : i32
      %mul3A_326 = arith.muli %add3A_301, %mul3A_325 : i32
      %add3A_327 = arith.addi %mul3A_2, %mul3A_326 : i32
      %dma_start3A_328 = arith.constant 0 : i32
      %dma_start3A_329 = tpu.memref_slice %arg5[%add3A_327, %dma_start3A_328] : memref<16384x1024xf32, #tpu.memory_space<hbm>> -> memref<16x1024xf32, #tpu.memory_space<hbm>>
      %dma_start3A_330 = arith.constant 0 : i32
      %dma_start3A_331 = tpu.memref_slice %arg5[%add3A_327, %dma_start3A_330] : memref<16384x1024xf32, #tpu.memory_space<hbm>> -> memref<16x1024xf32, #tpu.memory_space<hbm>>
      tpu.enqueue_dma source(%arg10 : memref<16x1024xf32, #tpu.memory_space<vmem>>) target(%dma_start3A_331 : memref<16x1024xf32, #tpu.memory_space<hbm>>) target_semaphore(%arg19 : memref<!tpu.dma_semaphore, #tpu.memory_space<semaphore_mem>>)
      %mul3A_332 = arith.constant 4 : i32
      %mul3A_333 = arith.muli %scan3A_230, %mul3A_332 : i32
      %add3A_334 = arith.constant 3 : i32
      %add3A_335 = arith.addi %mul3A_333, %add3A_334 : i32
      %add3A_336 = arith.constant 2 : i32
      %add3A_337 = arith.addi %add3A_335, %add3A_336 : i32
      %sub3A_338 = arith.constant 4 : i32
      %sub3A_339 = arith.subi %add3A_337, %sub3A_338 : i32
      %mul3A_340 = arith.constant 16 : i32
      %mul3A_341 = arith.muli %sub3A_339, %mul3A_340 : i32
      %add3A_342 = arith.addi %mul3A_2, %mul3A_341 : i32
      %dma_wait3A_343 = arith.constant 0 : i32
      %dma_wait3A_344 = tpu.memref_slice %arg5[%add3A_342, %dma_wait3A_343] : memref<16384x1024xf32, #tpu.memory_space<hbm>> -> memref<16x1024xf32, #tpu.memory_space<hbm>>
      %dma_wait3A_345 = arith.constant 0 : i32
      %dma_wait3A_346 = tpu.memref_slice %arg5[%add3A_342, %dma_wait3A_345] : memref<16384x1024xf32, #tpu.memory_space<hbm>> -> memref<16x1024xf32, #tpu.memory_space<hbm>>
      tpu.wait_dma2 semaphore(%arg18 : memref<!tpu.dma_semaphore, #tpu.memory_space<semaphore_mem>>) src(%arg9 : memref<16x1024xf32, #tpu.memory_space<vmem>>) dst(%dma_wait3A_346 : memref<16x1024xf32, #tpu.memory_space<hbm>>)
      %mul3A_347 = arith.constant 16 : i32
      %mul3A_348 = arith.muli %add3A_337, %mul3A_347 : i32
      %dma_start3A_349 = tpu.memref_slice %arg7[%mul3A_348] : memref<512xi32, #tpu.memory_space<vmem>> -> memref<16xi32, #tpu.memory_space<vmem>>
      %dma_start3A_350 = arith.constant 0 : i32
      %dma_start3A_351 = arith.constant 0 : i32
      %dma_start3A_352 = tpu.memref_slice %arg2[%dma_start3A_350, %dma_start3A_351] : memref<16384x1024xf32, #tpu.memory_space<hbm>> -> memref<16384x1024xf32, #tpu.memory_space<hbm>>
      tpu.enqueue_indirect_dma source(%dma_start3A_352 : memref<16384x1024xf32, #tpu.memory_space<hbm>>) target(%arg9 : memref<16x1024xf32, #tpu.memory_space<vmem>>) offsets(%dma_start3A_349 : memref<16xi32, #tpu.memory_space<vmem>>) semaphore(%arg14 : memref<!tpu.dma_semaphore, #tpu.memory_space<semaphore_mem>>)
      %mul3A_353 = arith.constant 16 : i32
      %mul3A_354 = arith.muli %add3A_335, %mul3A_353 : i32
      %dma_wait3A_355 = tpu.memref_slice %arg7[%mul3A_354] : memref<512xi32, #tpu.memory_space<vmem>> -> memref<16xi32, #tpu.memory_space<vmem>>
      %dma_wait3A_356 = arith.constant 0 : i32
      %dma_wait3A_357 = arith.constant 0 : i32
      %dma_wait3A_358 = tpu.memref_slice %arg2[%dma_wait3A_356, %dma_wait3A_357] : memref<16384x1024xf32, #tpu.memory_space<hbm>> -> memref<16384x1024xf32, #tpu.memory_space<hbm>>
      tpu.wait_indirect_dma semaphore(%arg16 : memref<!tpu.dma_semaphore, #tpu.memory_space<semaphore_mem>>) src(%dma_wait3A_358 : memref<16384x1024xf32, #tpu.memory_space<hbm>>) dst(%arg11 : memref<16x1024xf32, #tpu.memory_space<vmem>>)
      %mul3A_359 = arith.constant 16 : i32
      %mul3A_360 = arith.muli %add3A_335, %mul3A_359 : i32
      %add3A_361 = arith.addi %mul3A_2, %mul3A_360 : i32
      %dma_start3A_362 = arith.constant 0 : i32
      %dma_start3A_363 = tpu.memref_slice %arg5[%add3A_361, %dma_start3A_362] : memref<16384x1024xf32, #tpu.memory_space<hbm>> -> memref<16x1024xf32, #tpu.memory_space<hbm>>
      %dma_start3A_364 = arith.constant 0 : i32
      %dma_start3A_365 = tpu.memref_slice %arg5[%add3A_361, %dma_start3A_364] : memref<16384x1024xf32, #tpu.memory_space<hbm>> -> memref<16x1024xf32, #tpu.memory_space<hbm>>
      tpu.enqueue_dma source(%arg11 : memref<16x1024xf32, #tpu.memory_space<vmem>>) target(%dma_start3A_365 : memref<16x1024xf32, #tpu.memory_space<hbm>>) target_semaphore(%arg20 : memref<!tpu.dma_semaphore, #tpu.memory_space<semaphore_mem>>)
    }
    %scan3A_115 = arith.constant 6 : i32
    %add3A_116 = arith.constant 416 : i32
    %add3A_117 = arith.addi %mul3A_2, %add3A_116 : i32
    %dma_wait3A_118 = arith.constant 0 : i32
    %dma_wait3A_119 = tpu.memref_slice %arg5[%add3A_117, %dma_wait3A_118] : memref<16384x1024xf32, #tpu.memory_space<hbm>> -> memref<16x1024xf32, #tpu.memory_space<hbm>>
    %dma_wait3A_120 = arith.constant 0 : i32
    %dma_wait3A_121 = tpu.memref_slice %arg5[%add3A_117, %dma_wait3A_120] : memref<16384x1024xf32, #tpu.memory_space<hbm>> -> memref<16x1024xf32, #tpu.memory_space<hbm>>
    tpu.wait_dma2 semaphore(%arg19 : memref<!tpu.dma_semaphore, #tpu.memory_space<semaphore_mem>>) src(%arg10 : memref<16x1024xf32, #tpu.memory_space<vmem>>) dst(%dma_wait3A_121 : memref<16x1024xf32, #tpu.memory_space<hbm>>)
    %dma_start3A_122 = arith.constant 480 : i32
    %dma_start3A_123 = tpu.memref_slice %arg7[%dma_start3A_122] : memref<512xi32, #tpu.memory_space<vmem>> -> memref<16xi32, #tpu.memory_space<vmem>>
    %dma_start3A_124 = arith.constant 0 : i32
    %dma_start3A_125 = arith.constant 0 : i32
    %dma_start3A_126 = tpu.memref_slice %arg2[%dma_start3A_124, %dma_start3A_125] : memref<16384x1024xf32, #tpu.memory_space<hbm>> -> memref<16384x1024xf32, #tpu.memory_space<hbm>>
    tpu.enqueue_indirect_dma source(%dma_start3A_126 : memref<16384x1024xf32, #tpu.memory_space<hbm>>) target(%arg10 : memref<16x1024xf32, #tpu.memory_space<vmem>>) offsets(%dma_start3A_123 : memref<16xi32, #tpu.memory_space<vmem>>) semaphore(%arg15 : memref<!tpu.dma_semaphore, #tpu.memory_space<semaphore_mem>>)
    %dma_wait3A_127 = arith.constant 448 : i32
    %dma_wait3A_128 = tpu.memref_slice %arg7[%dma_wait3A_127] : memref<512xi32, #tpu.memory_space<vmem>> -> memref<16xi32, #tpu.memory_space<vmem>>
    %dma_wait3A_129 = arith.constant 0 : i32
    %dma_wait3A_130 = arith.constant 0 : i32
    %dma_wait3A_131 = tpu.memref_slice %arg2[%dma_wait3A_129, %dma_wait3A_130] : memref<16384x1024xf32, #tpu.memory_space<hbm>> -> memref<16384x1024xf32, #tpu.memory_space<hbm>>
    tpu.wait_indirect_dma semaphore(%arg13 : memref<!tpu.dma_semaphore, #tpu.memory_space<semaphore_mem>>) src(%dma_wait3A_131 : memref<16384x1024xf32, #tpu.memory_space<hbm>>) dst(%arg8 : memref<16x1024xf32, #tpu.memory_space<vmem>>)
    %add3A_132 = arith.constant 448 : i32
    %add3A_133 = arith.addi %mul3A_2, %add3A_132 : i32
    %dma_start3A_134 = arith.constant 0 : i32
    %dma_start3A_135 = tpu.memref_slice %arg5[%add3A_133, %dma_start3A_134] : memref<16384x1024xf32, #tpu.memory_space<hbm>> -> memref<16x1024xf32, #tpu.memory_space<hbm>>
    %dma_start3A_136 = arith.constant 0 : i32
    %dma_start3A_137 = tpu.memref_slice %arg5[%add3A_133, %dma_start3A_136] : memref<16384x1024xf32, #tpu.memory_space<hbm>> -> memref<16x1024xf32, #tpu.memory_space<hbm>>
    tpu.enqueue_dma source(%arg8 : memref<16x1024xf32, #tpu.memory_space<vmem>>) target(%dma_start3A_137 : memref<16x1024xf32, #tpu.memory_space<hbm>>) target_semaphore(%arg17 : memref<!tpu.dma_semaphore, #tpu.memory_space<semaphore_mem>>)
    %add3A_138 = arith.constant 432 : i32
    %add3A_139 = arith.addi %mul3A_2, %add3A_138 : i32
    %dma_wait3A_140 = arith.constant 0 : i32
    %dma_wait3A_141 = tpu.memref_slice %arg5[%add3A_139, %dma_wait3A_140] : memref<16384x1024xf32, #tpu.memory_space<hbm>> -> memref<16x1024xf32, #tpu.memory_space<hbm>>
    %dma_wait3A_142 = arith.constant 0 : i32
    %dma_wait3A_143 = tpu.memref_slice %arg5[%add3A_139, %dma_wait3A_142] : memref<16384x1024xf32, #tpu.memory_space<hbm>> -> memref<16x1024xf32, #tpu.memory_space<hbm>>
    tpu.wait_dma2 semaphore(%arg20 : memref<!tpu.dma_semaphore, #tpu.memory_space<semaphore_mem>>) src(%arg11 : memref<16x1024xf32, #tpu.memory_space<vmem>>) dst(%dma_wait3A_143 : memref<16x1024xf32, #tpu.memory_space<hbm>>)
    %dma_start3A_144 = arith.constant 496 : i32
    %dma_start3A_145 = tpu.memref_slice %arg7[%dma_start3A_144] : memref<512xi32, #tpu.memory_space<vmem>> -> memref<16xi32, #tpu.memory_space<vmem>>
    %dma_start3A_146 = arith.constant 0 : i32
    %dma_start3A_147 = arith.constant 0 : i32
    %dma_start3A_148 = tpu.memref_slice %arg2[%dma_start3A_146, %dma_start3A_147] : memref<16384x1024xf32, #tpu.memory_space<hbm>> -> memref<16384x1024xf32, #tpu.memory_space<hbm>>
    tpu.enqueue_indirect_dma source(%dma_start3A_148 : memref<16384x1024xf32, #tpu.memory_space<hbm>>) target(%arg11 : memref<16x1024xf32, #tpu.memory_space<vmem>>) offsets(%dma_start3A_145 : memref<16xi32, #tpu.memory_space<vmem>>) semaphore(%arg16 : memref<!tpu.dma_semaphore, #tpu.memory_space<semaphore_mem>>)
    %dma_wait3A_149 = arith.constant 464 : i32
    %dma_wait3A_150 = tpu.memref_slice %arg7[%dma_wait3A_149] : memref<512xi32, #tpu.memory_space<vmem>> -> memref<16xi32, #tpu.memory_space<vmem>>
    %dma_wait3A_151 = arith.constant 0 : i32
    %dma_wait3A_152 = arith.constant 0 : i32
    %dma_wait3A_153 = tpu.memref_slice %arg2[%dma_wait3A_151, %dma_wait3A_152] : memref<16384x1024xf32, #tpu.memory_space<hbm>> -> memref<16384x1024xf32, #tpu.memory_space<hbm>>
    tpu.wait_indirect_dma semaphore(%arg14 : memref<!tpu.dma_semaphore, #tpu.memory_space<semaphore_mem>>) src(%dma_wait3A_153 : memref<16384x1024xf32, #tpu.memory_space<hbm>>) dst(%arg9 : memref<16x1024xf32, #tpu.memory_space<vmem>>)
    %add3A_154 = arith.constant 464 : i32
    %add3A_155 = arith.addi %mul3A_2, %add3A_154 : i32
    %dma_start3A_156 = arith.constant 0 : i32
    %dma_start3A_157 = tpu.memref_slice %arg5[%add3A_155, %dma_start3A_156] : memref<16384x1024xf32, #tpu.memory_space<hbm>> -> memref<16x1024xf32, #tpu.memory_space<hbm>>
    %dma_start3A_158 = arith.constant 0 : i32
    %dma_start3A_159 = tpu.memref_slice %arg5[%add3A_155, %dma_start3A_158] : memref<16384x1024xf32, #tpu.memory_space<hbm>> -> memref<16x1024xf32, #tpu.memory_space<hbm>>
    tpu.enqueue_dma source(%arg9 : memref<16x1024xf32, #tpu.memory_space<vmem>>) target(%dma_start3A_159 : memref<16x1024xf32, #tpu.memory_space<hbm>>) target_semaphore(%arg18 : memref<!tpu.dma_semaphore, #tpu.memory_space<semaphore_mem>>)
    %dma_wait3A_160 = arith.constant 480 : i32
    %dma_wait3A_161 = tpu.memref_slice %arg7[%dma_wait3A_160] : memref<512xi32, #tpu.memory_space<vmem>> -> memref<16xi32, #tpu.memory_space<vmem>>
    %dma_wait3A_162 = arith.constant 0 : i32
    %dma_wait3A_163 = arith.constant 0 : i32
    %dma_wait3A_164 = tpu.memref_slice %arg2[%dma_wait3A_162, %dma_wait3A_163] : memref<16384x1024xf32, #tpu.memory_space<hbm>> -> memref<16384x1024xf32, #tpu.memory_space<hbm>>
    tpu.wait_indirect_dma semaphore(%arg15 : memref<!tpu.dma_semaphore, #tpu.memory_space<semaphore_mem>>) src(%dma_wait3A_164 : memref<16384x1024xf32, #tpu.memory_space<hbm>>) dst(%arg10 : memref<16x1024xf32, #tpu.memory_space<vmem>>)
    %add3A_165 = arith.constant 480 : i32
    %add3A_166 = arith.addi %mul3A_2, %add3A_165 : i32
    %dma_start3A_167 = arith.constant 0 : i32
    %dma_start3A_168 = tpu.memref_slice %arg5[%add3A_166, %dma_start3A_167] : memref<16384x1024xf32, #tpu.memory_space<hbm>> -> memref<16x1024xf32, #tpu.memory_space<hbm>>
    %dma_start3A_169 = arith.constant 0 : i32
    %dma_start3A_170 = tpu.memref_slice %arg5[%add3A_166, %dma_start3A_169] : memref<16384x1024xf32, #tpu.memory_space<hbm>> -> memref<16x1024xf32, #tpu.memory_space<hbm>>
    tpu.enqueue_dma source(%arg10 : memref<16x1024xf32, #tpu.memory_space<vmem>>) target(%dma_start3A_170 : memref<16x1024xf32, #tpu.memory_space<hbm>>) target_semaphore(%arg19 : memref<!tpu.dma_semaphore, #tpu.memory_space<semaphore_mem>>)
    %dma_wait3A_171 = arith.constant 496 : i32
    %dma_wait3A_172 = tpu.memref_slice %arg7[%dma_wait3A_171] : memref<512xi32, #tpu.memory_space<vmem>> -> memref<16xi32, #tpu.memory_space<vmem>>
    %dma_wait3A_173 = arith.constant 0 : i32
    %dma_wait3A_174 = arith.constant 0 : i32
    %dma_wait3A_175 = tpu.memref_slice %arg2[%dma_wait3A_173, %dma_wait3A_174] : memref<16384x1024xf32, #tpu.memory_space<hbm>> -> memref<16384x1024xf32, #tpu.memory_space<hbm>>
    tpu.wait_indirect_dma semaphore(%arg16 : memref<!tpu.dma_semaphore, #tpu.memory_space<semaphore_mem>>) src(%dma_wait3A_175 : memref<16384x1024xf32, #tpu.memory_space<hbm>>) dst(%arg11 : memref<16x1024xf32, #tpu.memory_space<vmem>>)
    %add3A_176 = arith.constant 496 : i32
    %add3A_177 = arith.addi %mul3A_2, %add3A_176 : i32
    %dma_start3A_178 = arith.constant 0 : i32
    %dma_start3A_179 = tpu.memref_slice %arg5[%add3A_177, %dma_start3A_178] : memref<16384x1024xf32, #tpu.memory_space<hbm>> -> memref<16x1024xf32, #tpu.memory_space<hbm>>
    %dma_start3A_180 = arith.constant 0 : i32
    %dma_start3A_181 = tpu.memref_slice %arg5[%add3A_177, %dma_start3A_180] : memref<16384x1024xf32, #tpu.memory_space<hbm>> -> memref<16x1024xf32, #tpu.memory_space<hbm>>
    tpu.enqueue_dma source(%arg11 : memref<16x1024xf32, #tpu.memory_space<vmem>>) target(%dma_start3A_181 : memref<16x1024xf32, #tpu.memory_space<hbm>>) target_semaphore(%arg20 : memref<!tpu.dma_semaphore, #tpu.memory_space<semaphore_mem>>)
    %add3A_182 = arith.constant 448 : i32
    %add3A_183 = arith.addi %mul3A_2, %add3A_182 : i32
    %dma_wait3A_184 = arith.constant 0 : i32
    %dma_wait3A_185 = tpu.memref_slice %arg5[%add3A_183, %dma_wait3A_184] : memref<16384x1024xf32, #tpu.memory_space<hbm>> -> memref<16x1024xf32, #tpu.memory_space<hbm>>
    %dma_wait3A_186 = arith.constant 0 : i32
    %dma_wait3A_187 = tpu.memref_slice %arg5[%add3A_183, %dma_wait3A_186] : memref<16384x1024xf32, #tpu.memory_space<hbm>> -> memref<16x1024xf32, #tpu.memory_space<hbm>>
    tpu.wait_dma2 semaphore(%arg17 : memref<!tpu.dma_semaphore, #tpu.memory_space<semaphore_mem>>) src(%arg8 : memref<16x1024xf32, #tpu.memory_space<vmem>>) dst(%dma_wait3A_187 : memref<16x1024xf32, #tpu.memory_space<hbm>>)
    %add3A_188 = arith.constant 464 : i32
    %add3A_189 = arith.addi %mul3A_2, %add3A_188 : i32
    %dma_wait3A_190 = arith.constant 0 : i32
    %dma_wait3A_191 = tpu.memref_slice %arg5[%add3A_189, %dma_wait3A_190] : memref<16384x1024xf32, #tpu.memory_space<hbm>> -> memref<16x1024xf32, #tpu.memory_space<hbm>>
    %dma_wait3A_192 = arith.constant 0 : i32
    %dma_wait3A_193 = tpu.memref_slice %arg5[%add3A_189, %dma_wait3A_192] : memref<16384x1024xf32, #tpu.memory_space<hbm>> -> memref<16x1024xf32, #tpu.memory_space<hbm>>
    tpu.wait_dma2 semaphore(%arg18 : memref<!tpu.dma_semaphore, #tpu.memory_space<semaphore_mem>>) src(%arg9 : memref<16x1024xf32, #tpu.memory_space<vmem>>) dst(%dma_wait3A_193 : memref<16x1024xf32, #tpu.memory_space<hbm>>)
    %add3A_194 = arith.constant 480 : i32
    %add3A_195 = arith.addi %mul3A_2, %add3A_194 : i32
    %dma_wait3A_196 = arith.constant 0 : i32
    %dma_wait3A_197 = tpu.memref_slice %arg5[%add3A_195, %dma_wait3A_196] : memref<16384x1024xf32, #tpu.memory_space<hbm>> -> memref<16x1024xf32, #tpu.memory_space<hbm>>
    %dma_wait3A_198 = arith.constant 0 : i32
    %dma_wait3A_199 = tpu.memref_slice %arg5[%add3A_195, %dma_wait3A_198] : memref<16384x1024xf32, #tpu.memory_space<hbm>> -> memref<16x1024xf32, #tpu.memory_space<hbm>>
    tpu.wait_dma2 semaphore(%arg19 : memref<!tpu.dma_semaphore, #tpu.memory_space<semaphore_mem>>) src(%arg10 : memref<16x1024xf32, #tpu.memory_space<vmem>>) dst(%dma_wait3A_199 : memref<16x1024xf32, #tpu.memory_space<hbm>>)
    %add3A_200 = arith.constant 496 : i32
    %add3A_201 = arith.addi %mul3A_2, %add3A_200 : i32
    %dma_wait3A_202 = arith.constant 0 : i32
    %dma_wait3A_203 = tpu.memref_slice %arg5[%add3A_201, %dma_wait3A_202] : memref<16384x1024xf32, #tpu.memory_space<hbm>> -> memref<16x1024xf32, #tpu.memory_space<hbm>>
    %dma_wait3A_204 = arith.constant 0 : i32
    %dma_wait3A_205 = tpu.memref_slice %arg5[%add3A_201, %dma_wait3A_204] : memref<16384x1024xf32, #tpu.memory_space<hbm>> -> memref<16x1024xf32, #tpu.memory_space<hbm>>
    tpu.wait_dma2 semaphore(%arg20 : memref<!tpu.dma_semaphore, #tpu.memory_space<semaphore_mem>>) src(%arg11 : memref<16x1024xf32, #tpu.memory_space<vmem>>) dst(%dma_wait3A_205 : memref<16x1024xf32, #tpu.memory_space<hbm>>)
    %dma_wait3A_206 = arith.constant 0 : i32
    %dma_wait3A_207 = tpu.memref_slice %arg12[%dma_wait3A_206] : memref<512xi32, #tpu.memory_space<vmem>> -> memref<128xi32, #tpu.memory_space<vmem>>
    %dma_wait3A_208 = arith.constant 0 : i32
    %dma_wait3A_209 = tpu.memref_slice %arg7[%dma_wait3A_208] : memref<512xi32, #tpu.memory_space<vmem>> -> memref<128xi32, #tpu.memory_space<vmem>>
    %dma_wait3A_210 = arith.constant 0 : i32
    %dma_wait3A_211 = tpu.memref_slice %arg3[%dma_wait3A_210] : memref<16384xi32, #tpu.memory_space<hbm>> -> memref<16384xi32, #tpu.memory_space<hbm>>
    tpu.wait_indirect_dma semaphore(%arg21 : memref<!tpu.dma_semaphore, #tpu.memory_space<semaphore_mem>>) src(%dma_wait3A_211 : memref<16384xi32, #tpu.memory_space<hbm>>) dst(%dma_wait3A_207 : memref<128xi32, #tpu.memory_space<vmem>>)
    %dma_wait3A_212 = arith.constant 128 : i32
    %dma_wait3A_213 = tpu.memref_slice %arg12[%dma_wait3A_212] : memref<512xi32, #tpu.memory_space<vmem>> -> memref<128xi32, #tpu.memory_space<vmem>>
    %dma_wait3A_214 = arith.constant 128 : i32
    %dma_wait3A_215 = tpu.memref_slice %arg7[%dma_wait3A_214] : memref<512xi32, #tpu.memory_space<vmem>> -> memref<128xi32, #tpu.memory_space<vmem>>
    %dma_wait3A_216 = arith.constant 0 : i32
    %dma_wait3A_217 = tpu.memref_slice %arg3[%dma_wait3A_216] : memref<16384xi32, #tpu.memory_space<hbm>> -> memref<16384xi32, #tpu.memory_space<hbm>>
    tpu.wait_indirect_dma semaphore(%arg21 : memref<!tpu.dma_semaphore, #tpu.memory_space<semaphore_mem>>) src(%dma_wait3A_217 : memref<16384xi32, #tpu.memory_space<hbm>>) dst(%dma_wait3A_213 : memref<128xi32, #tpu.memory_space<vmem>>)
    %dma_wait3A_218 = arith.constant 256 : i32
    %dma_wait3A_219 = tpu.memref_slice %arg12[%dma_wait3A_218] : memref<512xi32, #tpu.memory_space<vmem>> -> memref<128xi32, #tpu.memory_space<vmem>>
    %dma_wait3A_220 = arith.constant 256 : i32
    %dma_wait3A_221 = tpu.memref_slice %arg7[%dma_wait3A_220] : memref<512xi32, #tpu.memory_space<vmem>> -> memref<128xi32, #tpu.memory_space<vmem>>
    %dma_wait3A_222 = arith.constant 0 : i32
    %dma_wait3A_223 = tpu.memref_slice %arg3[%dma_wait3A_222] : memref<16384xi32, #tpu.memory_space<hbm>> -> memref<16384xi32, #tpu.memory_space<hbm>>
    tpu.wait_indirect_dma semaphore(%arg21 : memref<!tpu.dma_semaphore, #tpu.memory_space<semaphore_mem>>) src(%dma_wait3A_223 : memref<16384xi32, #tpu.memory_space<hbm>>) dst(%dma_wait3A_219 : memref<128xi32, #tpu.memory_space<vmem>>)
    %dma_wait3A_224 = arith.constant 384 : i32
    %dma_wait3A_225 = tpu.memref_slice %arg12[%dma_wait3A_224] : memref<512xi32, #tpu.memory_space<vmem>> -> memref<128xi32, #tpu.memory_space<vmem>>
    %dma_wait3A_226 = arith.constant 384 : i32
    %dma_wait3A_227 = tpu.memref_slice %arg7[%dma_wait3A_226] : memref<512xi32, #tpu.memory_space<vmem>> -> memref<128xi32, #tpu.memory_space<vmem>>
    %dma_wait3A_228 = arith.constant 0 : i32
    %dma_wait3A_229 = tpu.memref_slice %arg3[%dma_wait3A_228] : memref<16384xi32, #tpu.memory_space<hbm>> -> memref<16384xi32, #tpu.memory_space<hbm>>
    tpu.wait_indirect_dma semaphore(%arg21 : memref<!tpu.dma_semaphore, #tpu.memory_space<semaphore_mem>>) src(%dma_wait3A_229 : memref<16384xi32, #tpu.memory_space<hbm>>) dst(%dma_wait3A_225 : memref<128xi32, #tpu.memory_space<vmem>>)
    "tpu.region"() ({
      %run_scoped3A = tpu.sem_alloc : memref<!tpu.dma_semaphore, #tpu.memory_space<semaphore_mem>>
      %dma_start3A_230 = tpu.memref_slice %arg6[%mul3A_2] : memref<16384xi32, #tpu.memory_space<hbm>> -> memref<512xi32, #tpu.memory_space<hbm>>
      %dma_start3A_231 = tpu.memref_slice %arg6[%mul3A_2] : memref<16384xi32, #tpu.memory_space<hbm>> -> memref<512xi32, #tpu.memory_space<hbm>>
      tpu.enqueue_dma source(%arg12 : memref<512xi32, #tpu.memory_space<vmem>>) target(%dma_start3A_231 : memref<512xi32, #tpu.memory_space<hbm>>) target_semaphore(%run_scoped3A : memref<!tpu.dma_semaphore, #tpu.memory_space<semaphore_mem>>)
      %dma_wait3A_232 = tpu.memref_slice %arg6[%mul3A_2] : memref<16384xi32, #tpu.memory_space<hbm>> -> memref<512xi32, #tpu.memory_space<hbm>>
      %dma_wait3A_233 = tpu.memref_slice %arg6[%mul3A_2] : memref<16384xi32, #tpu.memory_space<hbm>> -> memref<512xi32, #tpu.memory_space<hbm>>
      tpu.wait_dma2 semaphore(%run_scoped3A : memref<!tpu.dma_semaphore, #tpu.memory_space<semaphore_mem>>) src(%arg12 : memref<512xi32, #tpu.memory_space<vmem>>) dst(%dma_wait3A_233 : memref<512xi32, #tpu.memory_space<hbm>>)
      tpu.yield
    }) : () -> ()
    return
  }
}

</mosaic_0001>

<sc_bundles>
// kernel: kernel.3.cloned.1.call-start
scs
__scs_entry_jumppad:
0x0: {  	(pc) =	sbr.rel $0x88, $3  }
0x1: {  	(tag) =	ssettag $0x0;
	lr =	simm.s32 $0x1  }
0x2: {  	[smem:$0x3F9E] =	sst lr;
	_ =	strace $0xD0000000  }
0x3: {  	_ = 	snop  }
0x4: {  	_ = 	snop  }
0x5: {  	_ = 	snop  }
0x6: {  	_ = 	snop  }
0x7: {  	_ = 	snop  }
__scs_overlays_trampoline_lowered:
0x8: {  	[smem:$0x3FAD] =	sst s0  }
0x9: {  	[smem:$0x3FAE] =	sst s1  }
0xa: {  	[smem:$0x3FAF] =	sst s2  }
0xb: {  	[smem:$0x3FB0] =	sst s3  }
0xc: {  	[smem:$0x3FB1] =	sst s4  }
0xd: {  	[smem:$0x3FB2] =	sst s5  }
0xe: {  	[smem:$0x3FB3] =	sst s6  }
0xf: {  	[smem:$0x3FB4] =	sst s7  }
0x10: {  	[smem:$0x3FB5] =	sst s8  }
0x11: {  	[smem:$0x3FB6] =	sst s9;
	s0 =	simm.s32 @!p0 $0x0  }
0x12: {  	s1 =	sld [smem:$0x3F9C];
	s0 =	simm.s32 @p0 $0x1  }
0x13: {  	[smem:$0x3FB7] =	sst s0;
	s0 =	simm.s32 @!p1 $0x0  }
0x14: {  	s2 =	sld [smem:$0x3F9B];
	s0 =	simm.s32 @p1 $0x1  }
0x15: {  	[smem:$0x3FB8] =	sst s0;
	s0 =	simm.s32 @!p2 $0x0  }
0x16: {  	s3 =	sld [smem:$0x3FDB];
	s0 =	simm.s32 @p2 $0x1  }
0x17: {  	s4 =	simm.s32 $0x1BF5;
	[smem:$0x3FBA] =	sst s0  }
0x18: {  	s0 =	sld [smem:$0x3F9D];
	_ =	swait.ge [sflag:s4], $0x0  }
0x19: {  	s7 =	sld [smem:$0x3F9E]  }
0x1a: {  	s8 =	sadd.s32 $0xFFFFE003, lr  }
0x1b: {  	s9 =	sadd.s32 $0xFFFFFEF7, lr;
	s5 =	simm.s32 $0xFFFFFFFF;
	p2 =	slt.u32 s8, $0xFFFFF086  }
0x1c: {  	p1 =	slt.u32 s9, $0xF7A;
	s5 =	simm.s32 @!p2 $0x0  }
0x1d: {  	s5 =	simm.s32 @p1 $0x1;
	p0 =	seq.s32 s7, s2  }
0x1e: {  	s7 =	smul.u32 @!p0 $0xF7A, s2;
	p2 =	seq.s32 @!p0 s5, $0x0  }
0x1f: {  	s9 =	smul.u32 $0xF7A, s1;
	s8 =	simm.s32 @!p0 $0x1BF5;
	p2 =	por !p2, p0  }
0x20: {  	[sflag:s8] =	ssyncset.s32 @!p0 $0xFFFFF086;
	s6 =	sadd.s32 @!p0 s3, s7;
	s7 =	simm.s32 @!p0 $0x108  }
0x21: {  	s3 =	sadd.s32 s3, s9;
	s6 =	sadd.s32 @!p0 $0x88, s6;
	s7 =	simm.s32 @p2 $0x1082  }
0x22: {  	[simem:s7], [sflag:s8] =	dma.local @!p0 [hbm:s6], $0xF7A  }
0x23: {  	s9 =	sor.u32 $0xD0000000, s2;
	s6 =	simm.s32 $0x108;
	_ =	swait.ge @!p0 [sflag:s8], $0x0  }
0x24: {  	s3 =	sadd.s32 $0x88, s3;
	s6 =	simm.s32 @!p1 $0x1082;
	[sflag:s4] =	ssyncset.s32 $0xFFFFF086  }
0x25: {  	[simem:s6], [sflag:s4] =	dma.local [hbm:s3], $0xF7A  }
0x26: {  	[smem:$0x3F9E] =	sst s1;
	(tag) =	ssettag s2;
	_ =	strace s9  }
0x27: {  	s1 =	sld [smem:$0x3FAE]  }
0x28: {  	s2 =	sld [smem:$0x3FAF]  }
0x29: {  	s4 =	sld [smem:$0x3FB1]  }
0x2a: {  	p0 =	seq.s32 s5, $0x0;
	s5 =	sld [smem:$0x3FB2]  }
0x2b: {  	s6 =	sld [smem:$0x3FB3]  }
0x2c: {  	s7 =	sld [smem:$0x3FB4]  }
0x2d: {  	s3 =	simm.s32 $0x108;
	s8 =	sld [smem:$0x3FB5]  }
0x2e: {  	s3 =	simm.s32 @!p0 $0x1082;
	s9 =	sld [smem:$0x3FB6]  }
0x2f: {  	lr =	sadd.s32 s0, s3;
	s0 =	sld [smem:$0x3FAD]  }
0x30: {  	s3 =	sld [smem:$0x3FB0]  }
0x31: {  	[smem:$0x3FB9] =	sst s10  }
0x32: {  	s10 =	sld [smem:$0x3FB7];
	_ =	sdelay $0x3  }
0x33: {  	p0 =	seq.s32 s10, $0x1;
	s10 =	sld [smem:$0x3FB9];
	_ =	sdelay $0x3  }
0x34: {  	[smem:$0x3FB9] =	sst s10  }
0x35: {  	s10 =	sld [smem:$0x3FB8];
	_ =	sdelay $0x3  }
0x36: {  	p1 =	seq.s32 s10, $0x1;
	s10 =	sld [smem:$0x3FB9];
	_ =	sdelay $0x3  }
0x37: {  	[smem:$0x3FB9] =	sst s10  }
0x38: {  	s10 =	sld [smem:$0x3FBA]  }
0x39: {  	_ = 	snop;
	(pc) =	sbr.ind lr, $3  }
0x3a: {  	_ = 	snop  }
0x3b: {  	_ = 	snop  }
0x3c: {  	p2 =	seq.s32 s10, $0x1;
	s10 =	sld [smem:$0x3FB9]  }
0x3d: {  	_ =	shalt  }
0x3e: {  	_ =	shalt  }
0x3f: {  	_ =	shalt  }
0x40: {  	_ =	shalt  }
0x41: {  	_ =	shalt  }
0x42: {  	_ =	shalt  }
0x43: {  	_ =	shalt  }
0x44: {  	_ =	shalt  }
0x45: {  	_ =	shalt  }
0x46: {  	_ =	shalt  }
0x47: {  	_ =	shalt  }
0x48: {  	_ =	shalt  }
0x49: {  	_ =	shalt  }
0x4a: {  	_ =	shalt  }
0x4b: {  	_ =	shalt  }
0x4c: {  	_ =	shalt  }
0x4d: {  	_ =	shalt  }
0x4e: {  	_ =	shalt  }
0x4f: {  	_ =	shalt  }
0x50: {  	_ =	shalt  }
0x51: {  	_ =	shalt  }
0x52: {  	_ =	shalt  }
0x53: {  	_ =	shalt  }
0x54: {  	_ =	shalt  }
0x55: {  	_ =	shalt  }
0x56: {  	_ =	shalt  }
0x57: {  	_ =	shalt  }
0x58: {  	_ =	shalt  }
0x59: {  	_ =	shalt  }
0x5a: {  	_ =	shalt  }
0x5b: {  	_ =	shalt  }
0x5c: {  	_ =	shalt  }
0x5d: {  	_ =	shalt  }
0x5e: {  	_ =	shalt  }
0x5f: {  	_ =	shalt  }
0x60: {  	_ =	shalt  }
0x61: {  	_ =	shalt  }
0x62: {  	_ =	shalt  }
0x63: {  	_ =	shalt  }
0x64: {  	_ =	shalt  }
0x65: {  	_ =	shalt  }
0x66: {  	_ =	shalt  }
0x67: {  	_ =	shalt  }
0x68: {  	_ =	shalt  }
0x69: {  	_ =	shalt  }
0x6a: {  	_ =	shalt  }
0x6b: {  	_ =	shalt  }
0x6c: {  	_ =	shalt  }
0x6d: {  	_ =	shalt  }
0x6e: {  	_ =	shalt  }
0x6f: {  	_ =	shalt  }
0x70: {  	_ =	shalt  }
0x71: {  	_ =	shalt  }
0x72: {  	_ =	shalt  }
0x73: {  	_ =	shalt  }
0x74: {  	_ =	shalt  }
0x75: {  	_ =	shalt  }
0x76: {  	_ =	shalt  }
0x77: {  	_ =	shalt  }
0x78: {  	_ =	shalt  }
0x79: {  	_ =	shalt  }
0x7a: {  	_ =	shalt  }
0x7b: {  	_ =	shalt  }
0x7c: {  	_ =	shalt  }
0x7d: {  	_ =	shalt  }
0x7e: {  	_ =	shalt  }
0x7f: {  	_ =	shalt  }
0x80: {  	_ =	shalt  }
0x81: {  	_ =	shalt  }
0x82: {  	_ =	shalt  }
0x83: {  	_ =	shalt  }
0x84: {  	_ =	shalt  }
0x85: {  	_ =	shalt  }
0x86: {  	_ =	shalt  }
0x87: {  	_ =	shalt  }
.Lfunc_end0:
.L_simem_size_0:
called_computation_lowered:
.L_overlay_start_0:
0x88: {  	s2 =	sld [smem:$0x3FD9]  }
0x89: {  	s3 =	sld [smem:$0x3FFE];
	_ =	sdelay $0x1  }
0x8a: {  	s1 =	srdreg.scid  }
0x8b: {  	s0 =	sand.u32 $0x1, s1  }
0x8c: {  	s15 =	sshll.u32 s0, $0xA;
	s2 =	sadd.s32 s3, s2  }
0x8d: {  	s2 =	sadd.s32 s2, s15  }
0x8e: {  	[smem:$0x3FC5] =	sst s2  }
0x8f: {  	_ = 	snop  }
0x90: {  	s2 =	sld [smem:$0x3FD0];
	_ =	sdelay $0x1  }
0x91: {  	s16 =	sld [smem:$0x3FC9]  }
0x92: {  	s5 =	simm.s32 $0xA;
	s6 =	simm.s32 $0x10;
	s4 =	sld [smem:$0x3FC7]  }
0x93: {  	[smem:s6], [sflag:s5] =	dma.local [hbm:s2], $0x1  }
0x94: {  	_ =	swait.eq [sflag:s5], $0x1  }
0x95: {  	s17 =	sld [smem:$0x10];
	[sflag:s5] =	ssyncset.done $0x0  }
0x96: {  	s18 =	sld [smem:$0x11];
	[sflag:s5] =	ssyncadd.s32 $0xFFFFFFFF  }
0x97: {  	s19 =	sld [smem:$0x12];
	(tm) =	ssettm $0x1  }
0x98: {  	s7 =	sld [smem:$0x3FFB];
	_ =	sdelay $0x3  }
0x99: {  	_ =	strace s7  }
0x9a: {  	s7 =	sld [smem:$0x3FFC];
	_ =	sdelay $0x3  }
0x9b: {  	_ =	strace s7  }
0x9c: {  	s7 =	sld [smem:$0x3FFD];
	_ =	sdelay $0x3  }
0x9d: {  	_ =	strace s7  }
0x9e: {  	_ =	strace $0x8FFFFFFF  }
0x9f: {  	s20 =	sld [smem:$0x3FDB];
	_ =	sdelay $0x1  }
0xa0: {  	s8 =	simm.s32 $_scs_section_size  }
0xa1: {  	s9 =	simm.s32 $_size__tile_overlayer_lowered;
	s10 =	simm.s32 $_tile_overlayer_lowered  }
0xa2: {  	s23 =	simm.s32 $0x1BFF;
	s22 =	sshll.u32 s10, $0x1;
	s7 =	sadd.s32 s8, s20  }
0xa3: {  	s11 =	simm.s32 $0x0;
	s21 =	sshll.u32 s9, $0x1;
	s9 =	sadd.s32 s22, s7  }
0xa4: {  	[timem:s11], [sflag:s23] =	dma.local [hbm:s9], s21  }
0xa5: {  	_ =	swait.ge [sflag:s23], s21  }
0xa6: {  	s8 =	ssub.s32 $0x0, s21;
	[sflag:s23] =	ssyncset.done $0x0  }
0xa7: {  	[sflag:s23] =	ssyncadd.s32 s8;
	_ =	sdelay $0x1  }
0xa8: {  	s24 =	simm.s32 $0x1B8B  }
0xa9: {  	_ =	swait.ge [sflag:s24], $0x1  }
0xaa: {  	[sflag:s24] =	ssyncset.done $0x0  }
0xab: {  	s25 =	simm.s32 $0x1B8E;
	[sflag:s24] =	ssyncadd.s32 $0xFFFFFFFF  }
0xac: {  	s26 =	simm.s32 $execute0_lowered;
	[smem:$0x3FD2] =	sst s25  }
0xad: {  	s8 =	sshll.u32 s26, $0x1;
	_ =	strace $0x80000046;
	[dreg:$0x1] =	wrdreg $0xFFFFFFFF  }
0xae: {  	s28 =	simm.s32 $_size_execute0_lowered;
	s7 =	sadd.s32 s7, s8;
	[dreg:$0x0] =	wrdreg $0x0  }
0xaf: {  	s8 =	sshll.u32 s28, $0x1;
	[dreg:$0x2] =	wrdreg s7  }
0xb0: {  	[dreg:$0x3] =	wrdreg s8  }
0xb1: {  	[dreg:$0x4] =	wrdreg $0xC0  }
0xb2: {  	_ =	task [dreg:s11], $0x5FFFF  }
0xb3: {  	[dreg:$0x1] =	wrdreg $0xFFFFFFFF  }
0xb4: {  	[dreg:$0x0] =	wrdreg $0x60  }
0xb5: {  	[dreg:$0x2] =	wrdreg s16  }
0xb6: {  	[dreg:$0x3] =	wrdreg s4  }
0xb7: {  	[dreg:$0x4] =	wrdreg s19  }
0xb8: {  	[dreg:$0x5] =	wrdreg s17  }
0xb9: {  	[dreg:$0x6] =	wrdreg s18  }
0xba: {  	[dreg:$0x7] =	wrdreg $0x9  }
0xbb: {  	_ =	task.clear_ibuf [dreg:s11], $0x8FFFF;
	_ =	strace $0x90000046  }
0xbc: {  	s29 =	simm.s32 $0x9;
	_ =	strace $0x80000048  }
0xbd: {  	_ =	swait.ge [sflag:s29], $0x1  }
0xbe: {  	[sflag:s29] =	ssyncadd.s32 $0xFFFFFFFF  }
0xbf: {  	_ =	strace $0x90000048  }
0xc0: {  	_ =	sfence  }
0xc1: {  	s30 =	sld [smem:$0x0];
	_ =	sdelay $0x2  }
0xc2: {  	s31 =	sshll.u32 s1, $0xD;
	s1 =	sshrl.u32 s1, $0x2  }
0xc3: {  	s3 =	sand.u32 $0x4000, s31;
	s1 =	sadd.s32 s1, s30  }
0xc4: {  	s0 =	sor.u32 s3, s0;
	s1 =	sshll.u32 s1, $0x11  }
0xc5: {  	s0 =	sor.u32 s1, s0  }
0xc6: {  	s0 =	sadd.s32 $0x8F2B, s0  }
0xc7: {  	[sflag:s0] =	ssyncadd.remote.s32 $0x1  }
0xc8: {  	_ =	sfence.sel $0xFFFF  }
0xc9: {  	[dreg:$0x0] =	wrdreg $0xFFFFFFFF;
	(pc) =	sbr.abs _section_cstart, $3  }
0xca: {  	[dreg:$0x1] =	wrdreg $0xFFFFFFFF  }
0xcb: {  	_ =	task.clear_ibuf [dreg:s11], $0x2FFFF;
	_ =	strace $0x9FFFFFFF  }
0xcc: {  	(tm) =	ssettm $0x7FFFFFFF  }
0xcd: {  	_ =	shalt  }
tec
execute0_lowered:
.L_overlay_start_1:
0x0: {  	(tag) =	ssettag $0x1  }
0x1: {  	s1 =	rddreg [dreg:$0x0]  }
0x2: {  	s0 =	rddreg [dreg:$0x2]  }
0x3: {  	s2 =	rddreg [dreg:$0x3]  }
0x4: {  	s3 =	rddreg [dreg:$0x4];
	s4 =	simm.s32 $0x0  }
0x5: {  	s5 =	srdreg.scid;
	s12 =	stileid.u32;
	s16 =	simm.s32 $0xA  }
0x6: {  	s17 =	simm.s32 $0x10200;
	s20 =	simm.s32 $0x1;
	s5 =	sand.u32 $0x1, s5  }
0x7: {  	s13 =	simm.s32 $0x8;
	s7 =	sshll.u32 s12, $0xA;
	s8 =	sshll.u32 s5, $0x9  }
0x8: {  	[smem:$0x7FF] =	sst s4;
	s29 =	sshll.u32 s12, $0x11;
	s7 =	sor.u32 s8, s7  }
0x9: {  	s12 =	simm.s32 $0x7;
	s6 =	ssub.s32 $0x2, s5;
	s11 =	sshrl.u32 s7, $0x3  }
0xa: {  	_ =	strace $0x80000047;
	s7 =	sshll.u32 s7, $0x7;
	s0 =	sadd.s32 s0, s11  }
0xb: {  	s9 =	sshrl.u32 s6, $0x1;
	s7 =	sadd.s32 s2, s7;
	[dreg:$0x7] =	wrdreg s0  }
0xc: {  	s10 =	ssub.s32 s6, s9;
	s3 =	sadd.s32 s3, s11;
	[dreg:$0x8] =	wrdreg s7  }
0xd: {  	s30 =	sshll.u32 s5, $0x10;
	s31 =	smax.u32 s10, $0x1;
	[dreg:$0x10] =	wrdreg s3  }
0xe: {  	s5 =	simm.s32 $0x3;
	s22 =	sadd.s32 $0x800, s7;
	[dreg:$0x11] =	wrdreg s31  }
0xf: {  	s8 =	sadd.s32 $0x200, s1;
	s23 =	sadd.s32 $0x1000, s7;
	[dreg:$0x9] =	wrdreg s22  }
0x10: {  	s6 =	sadd.s32 $0x100, s1;
	s24 =	sadd.s32 $0x1800, s7;
	[dreg:$0xa] =	wrdreg s23  }
0x11: {  	s9 =	sadd.s32 $0x300, s1;
	s25 =	sadd.s32 $0xE000, s7;
	[dreg:$0xb] =	wrdreg s24  }
0x12: {  	s10 =	simm.s32 $0x6;
	s26 =	sadd.s32 $0xE800, s7;
	[dreg:$0xc] =	wrdreg s25  }
0x13: {  	s11 =	simm.s32 $0x4;
	s28 =	sadd.s32 $0xF000, s7;
	[dreg:$0xd] =	wrdreg s26  }
0x14: {  	v2 =	vlaneseq.u32;
	s7 =	sadd.s32 $0xF800, s7;
	s0 =	sadd.s32 s29, s2;
	[dreg:$0xe] =	wrdreg s28  }
0x15: {  	vm0 =	vmmov $0xffff;
	v1 =	vshrl.u32 v2, $0x3;
	[dreg:$0xf] =	wrdreg s7;
	s0 =	sadd.s32 s30, s0;
	s25 =	simm.s32 $0x2  }
0x16: {  	v0 =	vand.u32 $0x7, v2;
	v2 =	vor.u32 $0x8, v2;
	v1 =	vmul.u32 $0x8, v1;
	s26 =	simm.s32 $0x5;
	[dreg:$0x6] =	wrdreg s0;
	s0 =	simm.s32 $0x0  }
.LBB2_1:
0x17: {  	[dreg:$0x12] =	wrdreg s0  }
0x18: {  	s15 =	rddreg [dreg:$0x7]  }
0x19: {  	[tilespmem:s4], [sflag:$0xA] =	stream.linear.gather [hbm4b:s15+s4], $0x200, $0x38;
	[tilespmem:$0x10400] =	vst v63  }
0x1a: {  	_ =	swait.ge [sflag:s16], $0x200  }
0x1b: {  	[sflag:s16] =	ssyncset.done $0x0  }
0x1c: {  	[sflag:s16] =	ssyncadd.s32 $0xFFFFFE00  }
0x1d: {  	s31 =	simm.s32 $0x80;
	s30 =	rddreg [dreg:$0x1]  }
0x1e: {  	[tilespmem:s17], [sflag:$0x9] =	stream.indirect.gather [hbm4b:s30+s31], $0x1, s4, s31, $0xb8;
	[tilespmem:$0x10400] =	vst v63  }
0x1f: {  	s0 =	simm.s32 $0x10280  }
0x20: {  	[tilespmem:s0], [sflag:$0x9] =	stream.indirect.gather [hbm4b:s30+s31], $0x1, s31, s31, $0xb8;
	[tilespmem:$0x10400] =	vst v63  }
0x21: {  	s2 =	simm.s32 $0x100;
	s21 =	simm.s32 $0x10300  }
0x22: {  	[tilespmem:s21], [sflag:$0x9] =	stream.indirect.gather [hbm4b:s30+s31], $0x1, s2, s31, $0xb8;
	[tilespmem:$0x10400] =	vst v63  }
0x23: {  	s3 =	simm.s32 $0x180;
	s7 =	simm.s32 $0x10380  }
0x24: {  	[tilespmem:s7], [sflag:$0x9] =	stream.indirect.gather [hbm4b:s30+s31], $0x1, s3, s31, $0xb8;
	[tilespmem:$0x10400] =	vst v63  }
0x25: {  	v3 =	vld [tilespmem:$0x0];
	_ =	sdelay $0x4  }
0x26: {  	v4 =	vshll.u32 v3, $0x3  }
0x27: {  	v3 =	vand.u32 $0x7, v3;
	v4 =	vand.u32 $0xFFFFFFC0, v4  }
0x28: {  	v3 =	vor.u32 v3, v4  }
0x29: {  	v4 =	vperm.xlane v3, v0;
	_ =	sdelay $0x1  }
0x2a: {  	v4 =	vadd.s32 v1, v4;
	_ =	sdelay $0x3  }
0x2b: {  	s0 =	simm.s32 $0x200  }
0x2c: {  	[tilespmem:s0], [sflag:$0x1] =	stream.indirect_vreg.gather [hbm4b:s1+s4], $0x80, v4, vm0, $0xb8;
	[tilespmem:$0x10400] =	vst v63  }
0x2d: {  	s16 =	simm.s32 $0xA00;
	v3 =	vperm.xlane v3, v2  }
0x2e: {  	[tilespmem:s16], [sflag:$0x1] =	stream.indirect_vreg.gather [hbm4b:s6+s4], $0x80, v4, vm0, $0xb8;
	[tilespmem:$0x10400] =	vst v63  }
0x2f: {  	s17 =	simm.s32 $0x1200;
	v3 =	vadd.s32 v1, v3  }
0x30: {  	[tilespmem:s17], [sflag:$0x1] =	stream.indirect_vreg.gather [hbm4b:s8+s4], $0x80, v4, vm0, $0xb8;
	[tilespmem:$0x10400] =	vst v63  }
0x31: {  	s21 =	simm.s32 $0x1A00  }
0x32: {  	[tilespmem:s21], [sflag:$0x1] =	stream.indirect_vreg.gather [hbm4b:s9+s4], $0x80, v4, vm0, $0xb8;
	[tilespmem:$0x10400] =	vst v63  }
0x33: {  	s18 =	simm.s32 $0x2200  }
0x34: {  	[tilespmem:s18], [sflag:$0x1] =	stream.indirect_vreg.gather [hbm4b:s1+s4], $0x80, v3, vm0, $0xb8;
	[tilespmem:$0x10400] =	vst v63  }
0x35: {  	s23 =	simm.s32 $0x2A00  }
0x36: {  	[tilespmem:s23], [sflag:$0x1] =	stream.indirect_vreg.gather [hbm4b:s6+s4], $0x80, v3, vm0, $0xb8;
	[tilespmem:$0x10400] =	vst v63  }
0x37: {  	s29 =	simm.s32 $0x3200  }
0x38: {  	[tilespmem:s29], [sflag:$0x1] =	stream.indirect_vreg.gather [hbm4b:s8+s4], $0x80, v3, vm0, $0xb8;
	[tilespmem:$0x10400] =	vst v63  }
0x39: {  	s2 =	simm.s32 $0x3A00  }
0x3a: {  	[tilespmem:s2], [sflag:$0x1] =	stream.indirect_vreg.gather [hbm4b:s9+s4], $0x80, v3, vm0, $0xb8;
	[tilespmem:$0x10400] =	vst v63  }
0x3b: {  	v3 =	vld [tilespmem:$0x10];
	_ =	sdelay $0x4  }
0x3c: {  	v59 =	vshll.u32 v3, $0x3  }
0x3d: {  	v3 =	vand.u32 $0x7, v3;
	v4 =	vand.u32 $0xFFFFFFC0, v59  }
0x3e: {  	v3 =	vor.u32 v3, v4  }
0x3f: {  	v4 =	vperm.xlane v3, v0;
	_ =	sdelay $0x1  }
0x40: {  	v4 =	vadd.s32 v1, v4;
	_ =	sdelay $0x3  }
0x41: {  	s2 =	simm.s32 $0x4200  }
0x42: {  	[tilespmem:s2], [sflag:$0x2] =	stream.indirect_vreg.gather [hbm4b:s1+s4], $0x80, v4, vm0, $0xb8;
	[tilespmem:$0x10400] =	vst v63  }
0x43: {  	s3 =	simm.s32 $0x4A00;
	v3 =	vperm.xlane v3, v2  }
0x44: {  	[tilespmem:s3], [sflag:$0x2] =	stream.indirect_vreg.gather [hbm4b:s6+s4], $0x80, v4, vm0, $0xb8;
	[tilespmem:$0x10400] =	vst v63  }
0x45: {  	s22 =	simm.s32 $0x5200;
	v3 =	vadd.s32 v1, v3  }
0x46: {  	[tilespmem:s22], [sflag:$0x2] =	stream.indirect_vreg.gather [hbm4b:s8+s4], $0x80, v4, vm0, $0xb8;
	[tilespmem:$0x10400] =	vst v63  }
0x47: {  	s28 =	simm.s32 $0x5A00  }
0x48: {  	[tilespmem:s28], [sflag:$0x2] =	stream.indirect_vreg.gather [hbm4b:s9+s4], $0x80, v4, vm0, $0xb8;
	[tilespmem:$0x10400] =	vst v63  }
0x49: {  	s31 =	simm.s32 $0x6200  }
0x4a: {  	[tilespmem:s31], [sflag:$0x2] =	stream.indirect_vreg.gather [hbm4b:s1+s4], $0x80, v3, vm0, $0xb8;
	[tilespmem:$0x10400] =	vst v63  }
0x4b: {  	s19 =	simm.s32 $0x6A00  }
0x4c: {  	[tilespmem:s19], [sflag:$0x2] =	stream.indirect_vreg.gather [hbm4b:s6+s4], $0x80, v3, vm0, $0xb8;
	[tilespmem:$0x10400] =	vst v63  }
0x4d: {  	s24 =	simm.s32 $0x7200  }
0x4e: {  	[tilespmem:s24], [sflag:$0x2] =	stream.indirect_vreg.gather [hbm4b:s8+s4], $0x80, v3, vm0, $0xb8;
	[tilespmem:$0x10400] =	vst v63  }
0x4f: {  	s30 =	simm.s32 $0x7A00  }
0x50: {  	[tilespmem:s30], [sflag:$0x2] =	stream.indirect_vreg.gather [hbm4b:s9+s4], $0x80, v3, vm0, $0xb8;
	[tilespmem:$0x10400] =	vst v63  }
0x51: {  	v3 =	vld [tilespmem:$0x20];
	_ =	sdelay $0x4  }
0x52: {  	v60 =	vshll.u32 v3, $0x3  }
0x53: {  	v3 =	vand.u32 $0x7, v3;
	v4 =	vand.u32 $0xFFFFFFC0, v60  }
0x54: {  	v3 =	vor.u32 v3, v4  }
0x55: {  	v4 =	vperm.xlane v3, v0;
	_ =	sdelay $0x1  }
0x56: {  	v4 =	vadd.s32 v1, v4;
	_ =	sdelay $0x3  }
0x57: {  	s7 =	simm.s32 $0x8200  }
0x58: {  	[tilespmem:s7], [sflag:$0x3] =	stream.indirect_vreg.gather [hbm4b:s1+s4], $0x80, v4, vm0, $0xb8;
	[tilespmem:$0x10400] =	vst v63  }
0x59: {  	s14 =	simm.s32 $0x8A00;
	v3 =	vperm.xlane v3, v2  }
0x5a: {  	[tilespmem:s14], [sflag:$0x3] =	stream.indirect_vreg.gather [hbm4b:s6+s4], $0x80, v4, vm0, $0xb8;
	[tilespmem:$0x10400] =	vst v63  }
0x5b: {  	v3 =	vadd.s32 v1, v3;
	s14 =	simm.s32 $0x9200  }
0x5c: {  	[tilespmem:s14], [sflag:$0x3] =	stream.indirect_vreg.gather [hbm4b:s8+s4], $0x80, v4, vm0, $0xb8;
	[tilespmem:$0x10400] =	vst v63  }
0x5d: {  	s14 =	simm.s32 $0x9A00  }
0x5e: {  	[tilespmem:s14], [sflag:$0x3] =	stream.indirect_vreg.gather [hbm4b:s9+s4], $0x80, v4, vm0, $0xb8;
	[tilespmem:$0x10400] =	vst v63  }
0x5f: {  	s14 =	simm.s32 $0xA200  }
0x60: {  	[tilespmem:s14], [sflag:$0x3] =	stream.indirect_vreg.gather [hbm4b:s1+s4], $0x80, v3, vm0, $0xb8;
	[tilespmem:$0x10400] =	vst v63  }
0x61: {  	s14 =	simm.s32 $0xAA00  }
0x62: {  	[tilespmem:s14], [sflag:$0x3] =	stream.indirect_vreg.gather [hbm4b:s6+s4], $0x80, v3, vm0, $0xb8;
	[tilespmem:$0x10400] =	vst v63  }
0x63: {  	s14 =	simm.s32 $0xB200  }
0x64: {  	[tilespmem:s14], [sflag:$0x3] =	stream.indirect_vreg.gather [hbm4b:s8+s4], $0x80, v3, vm0, $0xb8;
	[tilespmem:$0x10400] =	vst v63  }
0x65: {  	s14 =	simm.s32 $0xBA00  }
0x66: {  	[tilespmem:s14], [sflag:$0x3] =	stream.indirect_vreg.gather [hbm4b:s9+s4], $0x80, v3, vm0, $0xb8;
	[tilespmem:$0x10400] =	vst v63  }
0x67: {  	_ =	swait.ge [sflag:s20], $0x4000  }
0x68: {  	[sflag:s20] =	ssyncset.done $0x0  }
0x69: {  	s14 =	rddreg [dreg:$0x8];
	[sflag:s20] =	ssyncadd.s32 $0xFFFFC000  }
0x6a: {  	[hbm4b:s14+s4] =	stream.linear.scatter [tilespmem:s0], [sflag:$0x5], $0x4000, $0x38;
	[tilespmem:$0x10400] =	vst v63  }
0x6b: {  	v3 =	vld [tilespmem:$0x30];
	_ =	sdelay $0x4  }
0x6c: {  	v61 =	vshll.u32 v3, $0x3  }
0x6d: {  	v3 =	vand.u32 $0x7, v3;
	v4 =	vand.u32 $0xFFFFFFC0, v61  }
0x6e: {  	v3 =	vor.u32 v3, v4  }
0x6f: {  	v4 =	vperm.xlane v3, v0;
	_ =	sdelay $0x1  }
0x70: {  	v4 =	vadd.s32 v1, v4;
	_ =	sdelay $0x3  }
0x71: {  	s14 =	simm.s32 $0xC200  }
0x72: {  	[tilespmem:s14], [sflag:$0x4] =	stream.indirect_vreg.gather [hbm4b:s1+s4], $0x80, v4, vm0, $0xb8;
	[tilespmem:$0x10400] =	vst v63  }
0x73: {  	s15 =	simm.s32 $0xCA00;
	v3 =	vperm.xlane v3, v2  }
0x74: {  	[tilespmem:s15], [sflag:$0x4] =	stream.indirect_vreg.gather [hbm4b:s6+s4], $0x80, v4, vm0, $0xb8;
	[tilespmem:$0x10400] =	vst v63  }
0x75: {  	v3 =	vadd.s32 v1, v3;
	s15 =	simm.s32 $0xD200  }
0x76: {  	[tilespmem:s15], [sflag:$0x4] =	stream.indirect_vreg.gather [hbm4b:s8+s4], $0x80, v4, vm0, $0xb8;
	[tilespmem:$0x10400] =	vst v63  }
0x77: {  	s15 =	simm.s32 $0xDA00  }
0x78: {  	[tilespmem:s15], [sflag:$0x4] =	stream.indirect_vreg.gather [hbm4b:s9+s4], $0x80, v4, vm0, $0xb8;
	[tilespmem:$0x10400] =	vst v63  }
0x79: {  	s15 =	simm.s32 $0xE200  }
0x7a: {  	[tilespmem:s15], [sflag:$0x4] =	stream.indirect_vreg.gather [hbm4b:s1+s4], $0x80, v3, vm0, $0xb8;
	[tilespmem:$0x10400] =	vst v63  }
0x7b: {  	s15 =	simm.s32 $0xEA00  }
0x7c: {  	[tilespmem:s15], [sflag:$0x4] =	stream.indirect_vreg.gather [hbm4b:s6+s4], $0x80, v3, vm0, $0xb8;
	[tilespmem:$0x10400] =	vst v63  }
0x7d: {  	s15 =	simm.s32 $0xF200  }
0x7e: {  	[tilespmem:s15], [sflag:$0x4] =	stream.indirect_vreg.gather [hbm4b:s8+s4], $0x80, v3, vm0, $0xb8;
	[tilespmem:$0x10400] =	vst v63  }
0x7f: {  	s15 =	simm.s32 $0xFA00  }
0x80: {  	[tilespmem:s15], [sflag:$0x4] =	stream.indirect_vreg.gather [hbm4b:s9+s4], $0x80, v3, vm0, $0xb8;
	[tilespmem:$0x10400] =	vst v63  }
0x81: {  	_ =	swait.ge [sflag:s25], $0x4000  }
0x82: {  	[sflag:s25] =	ssyncset.done $0x0  }
0x83: {  	s15 =	rddreg [dreg:$0x9];
	[sflag:s25] =	ssyncadd.s32 $0xFFFFC000  }
0x84: {  	[hbm4b:s15+s4] =	stream.linear.scatter [tilespmem:s2], [sflag:$0x6], $0x4000, $0x38;
	[tilespmem:$0x10400] =	vst v63  }
0x85: {  	_ =	swait.ge [sflag:s26], $0x4000  }
0x86: {  	[sflag:s26] =	ssyncset.done $0x0  }
0x87: {  	[sflag:s26] =	ssyncadd.s32 $0xFFFFC000  }
0x88: {  	v3 =	vld [tilespmem:$0x40];
	_ =	sdelay $0x4  }
0x89: {  	v62 =	vshll.u32 v3, $0x3  }
0x8a: {  	v3 =	vand.u32 $0x7, v3;
	v4 =	vand.u32 $0xFFFFFFC0, v62  }
0x8b: {  	v3 =	vor.u32 v3, v4  }
0x8c: {  	v4 =	vperm.xlane v3, v0;
	_ =	sdelay $0x1  }
0x8d: {  	v4 =	vadd.s32 v1, v4;
	_ =	sdelay $0x4  }
0x8e: {  	[tilespmem:s0], [sflag:$0x1] =	stream.indirect_vreg.gather [hbm4b:s1+s4], $0x80, v4, vm0, $0xb8;
	[tilespmem:$0x10400] =	vst v63  }
0x8f: {  	v3 =	vperm.xlane v3, v2  }
0x90: {  	[tilespmem:s16], [sflag:$0x1] =	stream.indirect_vreg.gather [hbm4b:s6+s4], $0x80, v4, vm0, $0xb8;
	[tilespmem:$0x10400] =	vst v63  }
0x91: {  	v3 =	vadd.s32 v1, v3  }
0x92: {  	[tilespmem:s17], [sflag:$0x1] =	stream.indirect_vreg.gather [hbm4b:s8+s4], $0x80, v4, vm0, $0xb8;
	[tilespmem:$0x10400] =	vst v63  }
0x93: {  	_ = 	snop  }
0x94: {  	[tilespmem:s21], [sflag:$0x1] =	stream.indirect_vreg.gather [hbm4b:s9+s4], $0x80, v4, vm0, $0xb8;
	[tilespmem:$0x10400] =	vst v63  }
0x95: {  	_ = 	snop  }
0x96: {  	[tilespmem:s18], [sflag:$0x1] =	stream.indirect_vreg.gather [hbm4b:s1+s4], $0x80, v3, vm0, $0xb8;
	[tilespmem:$0x10400] =	vst v63  }
0x97: {  	_ = 	snop  }
0x98: {  	[tilespmem:s23], [sflag:$0x1] =	stream.indirect_vreg.gather [hbm4b:s6+s4], $0x80, v3, vm0, $0xb8;
	[tilespmem:$0x10400] =	vst v63  }
0x99: {  	_ = 	snop  }
0x9a: {  	[tilespmem:s29], [sflag:$0x1] =	stream.indirect_vreg.gather [hbm4b:s8+s4], $0x80, v3, vm0, $0xb8;
	[tilespmem:$0x10400] =	vst v63  }
0x9b: {  	s17 =	simm.s32 $0x3A00  }
0x9c: {  	[tilespmem:s17], [sflag:$0x1] =	stream.indirect_vreg.gather [hbm4b:s9+s4], $0x80, v3, vm0, $0xb8;
	[tilespmem:$0x10400] =	vst v63  }
0x9d: {  	_ =	swait.ge [sflag:s5], $0x4000  }
0x9e: {  	[sflag:s5] =	ssyncset.done $0x0  }
0x9f: {  	s21 =	rddreg [dreg:$0xa];
	[sflag:s5] =	ssyncadd.s32 $0xFFFFC000  }
0xa0: {  	[hbm4b:s21+s4] =	stream.linear.scatter [tilespmem:s7], [sflag:$0x7], $0x4000, $0x38;
	[tilespmem:$0x10400] =	vst v63  }
0xa1: {  	_ =	swait.ge [sflag:s10], $0x4000  }
0xa2: {  	[sflag:s10] =	ssyncset.done $0x0  }
0xa3: {  	[sflag:s10] =	ssyncadd.s32 $0xFFFFC000  }
0xa4: {  	v3 =	vld [tilespmem:$0x50];
	_ =	sdelay $0x4  }
0xa5: {  	v63 =	vshll.u32 v3, $0x3  }
0xa6: {  	v3 =	vand.u32 $0x7, v3;
	v4 =	vand.u32 $0xFFFFFFC0, v63  }
0xa7: {  	v3 =	vor.u32 v3, v4  }
0xa8: {  	v4 =	vperm.xlane v3, v0;
	_ =	sdelay $0x1  }
0xa9: {  	v4 =	vadd.s32 v1, v4;
	_ =	sdelay $0x4  }
0xaa: {  	[tilespmem:s2], [sflag:$0x2] =	stream.indirect_vreg.gather [hbm4b:s1+s4], $0x80, v4, vm0, $0xb8;
	[tilespmem:$0x10400] =	vst v63  }
0xab: {  	v3 =	vperm.xlane v3, v2  }
0xac: {  	[tilespmem:s3], [sflag:$0x2] =	stream.indirect_vreg.gather [hbm4b:s6+s4], $0x80, v4, vm0, $0xb8;
	[tilespmem:$0x10400] =	vst v63  }
0xad: {  	v3 =	vadd.s32 v1, v3  }
0xae: {  	[tilespmem:s22], [sflag:$0x2] =	stream.indirect_vreg.gather [hbm4b:s8+s4], $0x80, v4, vm0, $0xb8;
	[tilespmem:$0x10400] =	vst v63  }
0xaf: {  	_ = 	snop  }
0xb0: {  	[tilespmem:s28], [sflag:$0x2] =	stream.indirect_vreg.gather [hbm4b:s9+s4], $0x80, v4, vm0, $0xb8;
	[tilespmem:$0x10400] =	vst v63  }
0xb1: {  	_ = 	snop  }
0xb2: {  	[tilespmem:s31], [sflag:$0x2] =	stream.indirect_vreg.gather [hbm4b:s1+s4], $0x80, v3, vm0, $0xb8;
	[tilespmem:$0x10400] =	vst v63  }
0xb3: {  	_ = 	snop  }
0xb4: {  	[tilespmem:s19], [sflag:$0x2] =	stream.indirect_vreg.gather [hbm4b:s6+s4], $0x80, v3, vm0, $0xb8;
	[tilespmem:$0x10400] =	vst v63  }
0xb5: {  	s15 =	simm.s32 $0x90;
	s0 =	simm.s32 $0x6A00;
	s16 =	simm.s32 $0x0  }
0xb6: {  	[tilespmem:s24], [sflag:$0x2] =	stream.indirect_vreg.gather [hbm4b:s8+s4], $0x80, v3, vm0, $0xb8;
	[tilespmem:$0x10400] =	vst v63  }
0xb7: {  	s18 =	simm.s32 $0x3A00;
	s23 =	simm.s32 $0x3200;
	s29 =	simm.s32 $0x5A00  }
0xb8: {  	[tilespmem:s30], [sflag:$0x2] =	stream.indirect_vreg.gather [hbm4b:s9+s4], $0x80, v3, vm0, $0xb8;
	[tilespmem:$0x10400] =	vst v63  }
0xb9: {  	s7 =	simm.s32 $0x4A00;
	s2 =	simm.s32 $0x5200;
	_ =	swait.ge [sflag:s11], $0x4000  }
0xba: {  	s3 =	simm.s32 $0x7200;
	s22 =	simm.s32 $0x7A00;
	[sflag:s11] =	ssyncset.done $0x0  }
0xbb: {  	s28 =	simm.s32 $0x6200;
	s31 =	rddreg [dreg:$0xb];
	[sflag:s11] =	ssyncadd.s32 $0xFFFFC000  }
0xbc: {  	[hbm4b:s31+s4] =	stream.linear.scatter [tilespmem:s14], [sflag:$0x8], $0x4000, $0x38;
	[tilespmem:$0x10400] =	vst v63  }
.LBB2_2:
0xbd: {  	_ =	swait.ge [sflag:s12], $0x4000  }
0xbe: {  	[sflag:s12] =	ssyncset.done $0x0  }
0xbf: {  	[sflag:s12] =	ssyncadd.s32 $0xFFFFC000  }
0xc0: {  	v3 =	vld [tilespmem:s15+$0xFFFFFFD0];
	_ =	sdelay $0x4  }
0xc1: {  	v4 =	vshll.u32 v3, $0x3  }
0xc2: {  	v3 =	vand.u32 $0x7, v3;
	v4 =	vand.u32 $0xFFFFFFC0, v4  }
0xc3: {  	v3 =	vor.u32 v3, v4  }
0xc4: {  	v4 =	vperm.xlane v3, v0;
	_ =	sdelay $0x1  }
0xc5: {  	v4 =	vadd.s32 v1, v4;
	_ =	sdelay $0x3  }
0xc6: {  	s30 =	simm.s32 $0x8200  }
0xc7: {  	[tilespmem:s30], [sflag:$0x3] =	stream.indirect_vreg.gather [hbm4b:s1+s4], $0x80, v4, vm0, $0xb8;
	[tilespmem:$0x10400] =	vst v63  }
0xc8: {  	s17 =	simm.s32 $0x8A00;
	v3 =	vperm.xlane v3, v2  }
0xc9: {  	[tilespmem:s17], [sflag:$0x3] =	stream.indirect_vreg.gather [hbm4b:s6+s4], $0x80, v4, vm0, $0xb8;
	[tilespmem:$0x10400] =	vst v63  }
0xca: {  	s24 =	simm.s32 $0x9200;
	v3 =	vadd.s32 v1, v3  }
0xcb: {  	[tilespmem:s24], [sflag:$0x3] =	stream.indirect_vreg.gather [hbm4b:s8+s4], $0x80, v4, vm0, $0xb8;
	[tilespmem:$0x10400] =	vst v63  }
0xcc: {  	s31 =	simm.s32 $0x9A00  }
0xcd: {  	[tilespmem:s31], [sflag:$0x3] =	stream.indirect_vreg.gather [hbm4b:s9+s4], $0x80, v4, vm0, $0xb8;
	[tilespmem:$0x10400] =	vst v63  }
0xce: {  	s14 =	simm.s32 $0xA200  }
0xcf: {  	[tilespmem:s14], [sflag:$0x3] =	stream.indirect_vreg.gather [hbm4b:s1+s4], $0x80, v3, vm0, $0xb8;
	[tilespmem:$0x10400] =	vst v63  }
0xd0: {  	s19 =	simm.s32 $0xAA00  }
0xd1: {  	[tilespmem:s19], [sflag:$0x3] =	stream.indirect_vreg.gather [hbm4b:s6+s4], $0x80, v3, vm0, $0xb8;
	[tilespmem:$0x10400] =	vst v63  }
0xd2: {  	s21 =	simm.s32 $0xB200  }
0xd3: {  	[tilespmem:s21], [sflag:$0x3] =	stream.indirect_vreg.gather [hbm4b:s8+s4], $0x80, v3, vm0, $0xb8;
	[tilespmem:$0x10400] =	vst v63  }
0xd4: {  	s24 =	simm.s32 $0xBA00  }
0xd5: {  	[tilespmem:s24], [sflag:$0x3] =	stream.indirect_vreg.gather [hbm4b:s9+s4], $0x80, v3, vm0, $0xb8;
	[tilespmem:$0x10400] =	vst v63  }
0xd6: {  	_ =	swait.ge [sflag:s20], $0x4000  }
0xd7: {  	s21 =	rddreg [dreg:$0x6]  }
0xd8: {  	[sflag:s20] =	ssyncset.done $0x0;
	s21 =	sadd.s32 s16, s21  }
0xd9: {  	s14 =	simm.s32 $0x200;
	[sflag:s20] =	ssyncadd.s32 $0xFFFFC000;
	s31 =	sadd.s32 $0x2000, s21  }
0xda: {  	[hbm4b:s31+s4] =	stream.linear.scatter [tilespmem:s14], [sflag:$0x5], $0x4000, $0x38;
	[tilespmem:$0x10400] =	vst v63  }
0xdb: {  	_ =	swait.ge [sflag:s13], $0x4000  }
0xdc: {  	[sflag:s13] =	ssyncset.done $0x0  }
0xdd: {  	[sflag:s13] =	ssyncadd.s32 $0xFFFFC000  }
0xde: {  	v3 =	vld [tilespmem:s15+$0xFFFFFFE0];
	_ =	sdelay $0x4  }
0xdf: {  	v61 =	vshll.u32 v3, $0x3  }
0xe0: {  	v3 =	vand.u32 $0x7, v3;
	v4 =	vand.u32 $0xFFFFFFC0, v61  }
0xe1: {  	v3 =	vor.u32 v3, v4  }
0xe2: {  	v4 =	vperm.xlane v3, v0;
	_ =	sdelay $0x1  }
0xe3: {  	v4 =	vadd.s32 v1, v4;
	_ =	sdelay $0x3  }
0xe4: {  	s31 =	simm.s32 $0xC200  }
0xe5: {  	[tilespmem:s31], [sflag:$0x4] =	stream.indirect_vreg.gather [hbm4b:s1+s4], $0x80, v4, vm0, $0xb8;
	[tilespmem:$0x10400] =	vst v63  }
0xe6: {  	s19 =	simm.s32 $0xCA00;
	v3 =	vperm.xlane v3, v2  }
0xe7: {  	[tilespmem:s19], [sflag:$0x4] =	stream.indirect_vreg.gather [hbm4b:s6+s4], $0x80, v4, vm0, $0xb8;
	[tilespmem:$0x10400] =	vst v63  }
0xe8: {  	s24 =	simm.s32 $0xD200;
	v3 =	vadd.s32 v1, v3  }
0xe9: {  	[tilespmem:s24], [sflag:$0x4] =	stream.indirect_vreg.gather [hbm4b:s8+s4], $0x80, v4, vm0, $0xb8;
	[tilespmem:$0x10400] =	vst v63  }
0xea: {  	s19 =	simm.s32 $0xDA00  }
0xeb: {  	[tilespmem:s19], [sflag:$0x4] =	stream.indirect_vreg.gather [hbm4b:s9+s4], $0x80, v4, vm0, $0xb8;
	[tilespmem:$0x10400] =	vst v63  }
0xec: {  	s24 =	simm.s32 $0xE200  }
0xed: {  	[tilespmem:s24], [sflag:$0x4] =	stream.indirect_vreg.gather [hbm4b:s1+s4], $0x80, v3, vm0, $0xb8;
	[tilespmem:$0x10400] =	vst v63  }
0xee: {  	s19 =	simm.s32 $0xEA00  }
0xef: {  	[tilespmem:s19], [sflag:$0x4] =	stream.indirect_vreg.gather [hbm4b:s6+s4], $0x80, v3, vm0, $0xb8;
	[tilespmem:$0x10400] =	vst v63  }
0xf0: {  	s24 =	simm.s32 $0xF200  }
0xf1: {  	[tilespmem:s24], [sflag:$0x4] =	stream.indirect_vreg.gather [hbm4b:s8+s4], $0x80, v3, vm0, $0xb8;
	[tilespmem:$0x10400] =	vst v63  }
0xf2: {  	s19 =	simm.s32 $0xFA00  }
0xf3: {  	[tilespmem:s19], [sflag:$0x4] =	stream.indirect_vreg.gather [hbm4b:s9+s4], $0x80, v3, vm0, $0xb8;
	[tilespmem:$0x10400] =	vst v63  }
0xf4: {  	_ =	swait.ge [sflag:s25], $0x4000  }
0xf5: {  	[sflag:s25] =	ssyncset.done $0x0  }
0xf6: {  	s24 =	sadd.s32 $0x2800, s21;
	s19 =	simm.s32 $0x4200;
	[sflag:s25] =	ssyncadd.s32 $0xFFFFC000  }
0xf7: {  	[hbm4b:s24+s4] =	stream.linear.scatter [tilespmem:s19], [sflag:$0x6], $0x4000, $0x38;
	[tilespmem:$0x10400] =	vst v63  }
0xf8: {  	_ =	swait.ge [sflag:s26], $0x4000  }
0xf9: {  	[sflag:s26] =	ssyncset.done $0x0  }
0xfa: {  	[sflag:s26] =	ssyncadd.s32 $0xFFFFC000  }
0xfb: {  	v3 =	vld [tilespmem:s15+$0xFFFFFFF0];
	_ =	sdelay $0x4  }
0xfc: {  	v62 =	vshll.u32 v3, $0x3  }
0xfd: {  	v3 =	vand.u32 $0x7, v3;
	v4 =	vand.u32 $0xFFFFFFC0, v62  }
0xfe: {  	v3 =	vor.u32 v3, v4  }
0xff: {  	v4 =	vperm.xlane v3, v0;
	_ =	sdelay $0x1  }
0x100: {  	v4 =	vadd.s32 v1, v4;
	_ =	sdelay $0x4  }
0x101: {  	[tilespmem:s14], [sflag:$0x1] =	stream.indirect_vreg.gather [hbm4b:s1+s4], $0x80, v4, vm0, $0xb8;
	[tilespmem:$0x10400] =	vst v63  }
0x102: {  	s17 =	simm.s32 $0xA00;
	v3 =	vperm.xlane v3, v2  }
0x103: {  	[tilespmem:s17], [sflag:$0x1] =	stream.indirect_vreg.gather [hbm4b:s6+s4], $0x80, v4, vm0, $0xb8;
	[tilespmem:$0x10400] =	vst v63  }
0x104: {  	v3 =	vadd.s32 v1, v3;
	s17 =	simm.s32 $0x1200  }
0x105: {  	[tilespmem:s17], [sflag:$0x1] =	stream.indirect_vreg.gather [hbm4b:s8+s4], $0x80, v4, vm0, $0xb8;
	[tilespmem:$0x10400] =	vst v63  }
0x106: {  	s17 =	simm.s32 $0x1A00  }
0x107: {  	[tilespmem:s17], [sflag:$0x1] =	stream.indirect_vreg.gather [hbm4b:s9+s4], $0x80, v4, vm0, $0xb8;
	[tilespmem:$0x10400] =	vst v63  }
0x108: {  	s17 =	simm.s32 $0x2200  }
0x109: {  	[tilespmem:s17], [sflag:$0x1] =	stream.indirect_vreg.gather [hbm4b:s1+s4], $0x80, v3, vm0, $0xb8;
	[tilespmem:$0x10400] =	vst v63  }
0x10a: {  	s17 =	simm.s32 $0x2A00  }
0x10b: {  	[tilespmem:s17], [sflag:$0x1] =	stream.indirect_vreg.gather [hbm4b:s6+s4], $0x80, v3, vm0, $0xb8;
	[tilespmem:$0x10400] =	vst v63  }
0x10c: {  	_ = 	snop  }
0x10d: {  	[tilespmem:s23], [sflag:$0x1] =	stream.indirect_vreg.gather [hbm4b:s8+s4], $0x80, v3, vm0, $0xb8;
	[tilespmem:$0x10400] =	vst v63  }
0x10e: {  	_ = 	snop  }
0x10f: {  	[tilespmem:s18], [sflag:$0x1] =	stream.indirect_vreg.gather [hbm4b:s9+s4], $0x80, v3, vm0, $0xb8;
	[tilespmem:$0x10400] =	vst v63  }
0x110: {  	_ =	swait.ge [sflag:s5], $0x4000  }
0x111: {  	[sflag:s5] =	ssyncset.done $0x0  }
0x112: {  	s14 =	sadd.s32 $0x3000, s21;
	[sflag:s5] =	ssyncadd.s32 $0xFFFFC000  }
0x113: {  	[hbm4b:s14+s4] =	stream.linear.scatter [tilespmem:s30], [sflag:$0x7], $0x4000, $0x38;
	[tilespmem:$0x10400] =	vst v63  }
0x114: {  	_ =	swait.ge [sflag:s10], $0x4000  }
0x115: {  	[sflag:s10] =	ssyncset.done $0x0  }
0x116: {  	[sflag:s10] =	ssyncadd.s32 $0xFFFFC000  }
0x117: {  	v3 =	vld [tilespmem:s15+$0x0];
	_ =	sdelay $0x4  }
0x118: {  	v63 =	vshll.u32 v3, $0x3  }
0x119: {  	v3 =	vand.u32 $0x7, v3;
	v4 =	vand.u32 $0xFFFFFFC0, v63  }
0x11a: {  	v3 =	vor.u32 v3, v4  }
0x11b: {  	v4 =	vperm.xlane v3, v0;
	_ =	sdelay $0x1  }
0x11c: {  	v4 =	vadd.s32 v1, v4;
	_ =	sdelay $0x4  }
0x11d: {  	[tilespmem:s19], [sflag:$0x2] =	stream.indirect_vreg.gather [hbm4b:s1+s4], $0x80, v4, vm0, $0xb8;
	[tilespmem:$0x10400] =	vst v63  }
0x11e: {  	v3 =	vperm.xlane v3, v2  }
0x11f: {  	[tilespmem:s7], [sflag:$0x2] =	stream.indirect_vreg.gather [hbm4b:s6+s4], $0x80, v4, vm0, $0xb8;
	[tilespmem:$0x10400] =	vst v63  }
0x120: {  	v3 =	vadd.s32 v1, v3  }
0x121: {  	[tilespmem:s2], [sflag:$0x2] =	stream.indirect_vreg.gather [hbm4b:s8+s4], $0x80, v4, vm0, $0xb8;
	[tilespmem:$0x10400] =	vst v63  }
0x122: {  	_ = 	snop  }
0x123: {  	[tilespmem:s29], [sflag:$0x2] =	stream.indirect_vreg.gather [hbm4b:s9+s4], $0x80, v4, vm0, $0xb8;
	[tilespmem:$0x10400] =	vst v63  }
0x124: {  	_ = 	snop  }
0x125: {  	[tilespmem:s28], [sflag:$0x2] =	stream.indirect_vreg.gather [hbm4b:s1+s4], $0x80, v3, vm0, $0xb8;
	[tilespmem:$0x10400] =	vst v63  }
0x126: {  	_ = 	snop  }
0x127: {  	[tilespmem:s0], [sflag:$0x2] =	stream.indirect_vreg.gather [hbm4b:s6+s4], $0x80, v3, vm0, $0xb8;
	[tilespmem:$0x10400] =	vst v63  }
0x128: {  	_ = 	snop  }
0x129: {  	[tilespmem:s3], [sflag:$0x2] =	stream.indirect_vreg.gather [hbm4b:s8+s4], $0x80, v3, vm0, $0xb8;
	[tilespmem:$0x10400] =	vst v63  }
0x12a: {  	p0 =	sne.s32 s16, $0xA000  }
0x12b: {  	[tilespmem:s22], [sflag:$0x2] =	stream.indirect_vreg.gather [hbm4b:s9+s4], $0x80, v3, vm0, $0xb8;
	[tilespmem:$0x10400] =	vst v63  }
.Ltmp0:
0x12c: {  	_ = 	snop;
	(pc) =	sbr.rel @p0 .LBB2_2-.Ltmp0, $4  }
0x12d: {  	s16 =	sadd.s32 $0x2000, s16;
	_ =	swait.ge [sflag:s11], $0x4000  }
0x12e: {  	s24 =	simm.s32 $0x200;
	s14 =	simm.s32 $0x4200;
	[sflag:s11] =	ssyncset.done $0x0  }
0x12f: {  	s30 =	sadd.s32 $0x3800, s21;
	s15 =	sadd.s32 $0x40, s15;
	[sflag:s11] =	ssyncadd.s32 $0xFFFFC000  }
0x130: {  	[hbm4b:s30+s4] =	stream.linear.scatter [tilespmem:s31], [sflag:$0x8], $0x4000, $0x38;
	[tilespmem:$0x10400] =	vst v63  }
0x131: {  	_ =	swait.ge [sflag:s12], $0x4000  }
0x132: {  	[sflag:s12] =	ssyncset.done $0x0  }
0x133: {  	[sflag:s12] =	ssyncadd.s32 $0xFFFFC000  }
0x134: {  	v3 =	vld [tilespmem:$0x1E0];
	_ =	sdelay $0x4  }
0x135: {  	v4 =	vshll.u32 v3, $0x3  }
0x136: {  	v3 =	vand.u32 $0x7, v3;
	v4 =	vand.u32 $0xFFFFFFC0, v4  }
0x137: {  	v3 =	vor.u32 v3, v4  }
0x138: {  	v4 =	vperm.xlane v3, v0;
	_ =	sdelay $0x1  }
0x139: {  	v4 =	vadd.s32 v1, v4;
	_ =	sdelay $0x3  }
0x13a: {  	s2 =	simm.s32 $0x8200  }
0x13b: {  	[tilespmem:s2], [sflag:$0x3] =	stream.indirect_vreg.gather [hbm4b:s1+s4], $0x80, v4, vm0, $0xb8;
	[tilespmem:$0x10400] =	vst v63  }
0x13c: {  	s0 =	simm.s32 $0x8A00;
	v3 =	vperm.xlane v3, v2  }
0x13d: {  	[tilespmem:s0], [sflag:$0x3] =	stream.indirect_vreg.gather [hbm4b:s6+s4], $0x80, v4, vm0, $0xb8;
	[tilespmem:$0x10400] =	vst v63  }
0x13e: {  	s23 =	simm.s32 $0x9200;
	v3 =	vadd.s32 v1, v3  }
0x13f: {  	[tilespmem:s23], [sflag:$0x3] =	stream.indirect_vreg.gather [hbm4b:s8+s4], $0x80, v4, vm0, $0xb8;
	[tilespmem:$0x10400] =	vst v63  }
0x140: {  	s28 =	simm.s32 $0x9A00  }
0x141: {  	[tilespmem:s28], [sflag:$0x3] =	stream.indirect_vreg.gather [hbm4b:s9+s4], $0x80, v4, vm0, $0xb8;
	[tilespmem:$0x10400] =	vst v63  }
0x142: {  	s29 =	simm.s32 $0xA200  }
0x143: {  	[tilespmem:s29], [sflag:$0x3] =	stream.indirect_vreg.gather [hbm4b:s1+s4], $0x80, v3, vm0, $0xb8;
	[tilespmem:$0x10400] =	vst v63  }
0x144: {  	s30 =	simm.s32 $0xAA00  }
0x145: {  	[tilespmem:s30], [sflag:$0x3] =	stream.indirect_vreg.gather [hbm4b:s6+s4], $0x80, v3, vm0, $0xb8;
	[tilespmem:$0x10400] =	vst v63  }
0x146: {  	s31 =	simm.s32 $0xB200  }
0x147: {  	[tilespmem:s31], [sflag:$0x3] =	stream.indirect_vreg.gather [hbm4b:s8+s4], $0x80, v3, vm0, $0xb8;
	[tilespmem:$0x10400] =	vst v63  }
0x148: {  	s3 =	simm.s32 $0xBA00  }
0x149: {  	[tilespmem:s3], [sflag:$0x3] =	stream.indirect_vreg.gather [hbm4b:s9+s4], $0x80, v3, vm0, $0xb8;
	[tilespmem:$0x10400] =	vst v63  }
0x14a: {  	_ =	swait.ge [sflag:s20], $0x4000  }
0x14b: {  	[sflag:s20] =	ssyncset.done $0x0  }
0x14c: {  	s15 =	rddreg [dreg:$0xc];
	[sflag:s20] =	ssyncadd.s32 $0xFFFFC000  }
0x14d: {  	[hbm4b:s15+s4] =	stream.linear.scatter [tilespmem:s24], [sflag:$0x5], $0x4000, $0x38;
	[tilespmem:$0x10400] =	vst v63  }
0x14e: {  	_ =	swait.ge [sflag:s13], $0x4000  }
0x14f: {  	[sflag:s13] =	ssyncset.done $0x0  }
0x150: {  	[sflag:s13] =	ssyncadd.s32 $0xFFFFC000  }
0x151: {  	v3 =	vld [tilespmem:$0x1F0];
	_ =	sdelay $0x4  }
0x152: {  	v63 =	vshll.u32 v3, $0x3  }
0x153: {  	v3 =	vand.u32 $0x7, v3;
	v4 =	vand.u32 $0xFFFFFFC0, v63  }
0x154: {  	v3 =	vor.u32 v3, v4  }
0x155: {  	v4 =	vperm.xlane v3, v0;
	_ =	sdelay $0x1  }
0x156: {  	v4 =	vadd.s32 v1, v4;
	_ =	sdelay $0x3  }
0x157: {  	s3 =	simm.s32 $0xC200  }
0x158: {  	[tilespmem:s3], [sflag:$0x4] =	stream.indirect_vreg.gather [hbm4b:s1+s4], $0x80, v4, vm0, $0xb8;
	[tilespmem:$0x10400] =	vst v63  }
0x159: {  	s7 =	simm.s32 $0xCA00;
	v3 =	vperm.xlane v3, v2  }
0x15a: {  	[tilespmem:s7], [sflag:$0x4] =	stream.indirect_vreg.gather [hbm4b:s6+s4], $0x80, v4, vm0, $0xb8;
	[tilespmem:$0x10400] =	vst v63  }
0x15b: {  	s15 =	simm.s32 $0xD200;
	v3 =	vadd.s32 v1, v3  }
0x15c: {  	[tilespmem:s15], [sflag:$0x4] =	stream.indirect_vreg.gather [hbm4b:s8+s4], $0x80, v4, vm0, $0xb8;
	[tilespmem:$0x10400] =	vst v63  }
0x15d: {  	s16 =	simm.s32 $0xDA00  }
0x15e: {  	[tilespmem:s16], [sflag:$0x4] =	stream.indirect_vreg.gather [hbm4b:s9+s4], $0x80, v4, vm0, $0xb8;
	[tilespmem:$0x10400] =	vst v63  }
0x15f: {  	s17 =	simm.s32 $0xE200  }
0x160: {  	[tilespmem:s17], [sflag:$0x4] =	stream.indirect_vreg.gather [hbm4b:s1+s4], $0x80, v3, vm0, $0xb8;
	[tilespmem:$0x10400] =	vst v63  }
0x161: {  	s18 =	simm.s32 $0xEA00  }
0x162: {  	[tilespmem:s18], [sflag:$0x4] =	stream.indirect_vreg.gather [hbm4b:s6+s4], $0x80, v3, vm0, $0xb8;
	[tilespmem:$0x10400] =	vst v63  }
0x163: {  	s19 =	simm.s32 $0xF200  }
0x164: {  	[tilespmem:s19], [sflag:$0x4] =	stream.indirect_vreg.gather [hbm4b:s8+s4], $0x80, v3, vm0, $0xb8;
	[tilespmem:$0x10400] =	vst v63  }
0x165: {  	s21 =	simm.s32 $0xFA00  }
0x166: {  	[tilespmem:s21], [sflag:$0x4] =	stream.indirect_vreg.gather [hbm4b:s9+s4], $0x80, v3, vm0, $0xb8;
	[tilespmem:$0x10400] =	vst v63  }
0x167: {  	_ =	swait.ge [sflag:s25], $0x4000  }
0x168: {  	[sflag:s25] =	ssyncset.done $0x0  }
0x169: {  	s22 =	rddreg [dreg:$0xd];
	[sflag:s25] =	ssyncadd.s32 $0xFFFFC000  }
0x16a: {  	[hbm4b:s22+s4] =	stream.linear.scatter [tilespmem:s14], [sflag:$0x6], $0x4000, $0x38;
	[tilespmem:$0x10400] =	vst v63  }
0x16b: {  	_ =	swait.ge [sflag:s5], $0x4000  }
0x16c: {  	[sflag:s5] =	ssyncset.done $0x0  }
0x16d: {  	s23 =	rddreg [dreg:$0xe];
	[sflag:s5] =	ssyncadd.s32 $0xFFFFC000  }
0x16e: {  	[hbm4b:s23+s4] =	stream.linear.scatter [tilespmem:s2], [sflag:$0x7], $0x4000, $0x38;
	[tilespmem:$0x10400] =	vst v63  }
0x16f: {  	_ =	swait.ge [sflag:s11], $0x4000  }
0x170: {  	[sflag:s11] =	ssyncset.done $0x0  }
0x171: {  	s24 =	rddreg [dreg:$0xf];
	[sflag:s11] =	ssyncadd.s32 $0xFFFFC000  }
0x172: {  	[hbm4b:s24+s4] =	stream.linear.scatter [tilespmem:s3], [sflag:$0x8], $0x4000, $0x38;
	[tilespmem:$0x10400] =	vst v63  }
0x173: {  	_ =	swait.ge [sflag:s26], $0x4000  }
0x174: {  	[sflag:s26] =	ssyncset.done $0x0  }
0x175: {  	[sflag:s26] =	ssyncadd.s32 $0xFFFFC000  }
0x176: {  	_ =	swait.ge [sflag:s10], $0x4000  }
0x177: {  	[sflag:s10] =	ssyncset.done $0x0  }
0x178: {  	[sflag:s10] =	ssyncadd.s32 $0xFFFFC000  }
0x179: {  	_ =	swait.ge [sflag:s12], $0x4000  }
0x17a: {  	[sflag:s12] =	ssyncset.done $0x0  }
0x17b: {  	[sflag:s12] =	ssyncadd.s32 $0xFFFFC000  }
0x17c: {  	_ =	swait.ge [sflag:s13], $0x4000  }
0x17d: {  	[sflag:s13] =	ssyncset.done $0x0  }
0x17e: {  	s28 =	simm.s32 $0x9;
	[sflag:s13] =	ssyncadd.s32 $0xFFFFC000  }
0x17f: {  	_ =	swait.ge [sflag:s28], $0x80  }
0x180: {  	[sflag:s28] =	ssyncset.done $0x0  }
0x181: {  	[sflag:s28] =	ssyncadd.s32 $0xFFFFFF80  }
0x182: {  	_ =	swait.ge [sflag:s28], $0x80  }
0x183: {  	[sflag:s28] =	ssyncset.done $0x0  }
0x184: {  	[sflag:s28] =	ssyncadd.s32 $0xFFFFFF80  }
0x185: {  	_ =	swait.ge [sflag:s28], $0x80  }
0x186: {  	[sflag:s28] =	ssyncset.done $0x0  }
0x187: {  	[sflag:s28] =	ssyncadd.s32 $0xFFFFFF80  }
0x188: {  	_ =	swait.ge [sflag:s28], $0x80  }
0x189: {  	s16 =	simm.s32 $0xA;
	[sflag:s28] =	ssyncset.done $0x0  }
0x18a: {  	s17 =	simm.s32 $0x10200;
	s29 =	rddreg [dreg:$0x10];
	[sflag:s28] =	ssyncadd.s32 $0xFFFFFF80  }
0x18b: {  	[hbm4b:s29+s4] =	stream.linear.scatter [tilespmem:s17], [sflag:$0xA], $0x200, $0x38;
	[tilespmem:$0x10400] =	vst v63  }
0x18c: {  	_ =	swait.ge [sflag:s16], $0x200  }
0x18d: {  	s30 =	rddreg [dreg:$0x12]  }
0x18e: {  	s31 =	rddreg [dreg:$0x11];
	s0 =	sadd.s32 $0x1, s30  }
0x18f: {  	p0 =	sne.s32 s0, s31  }
.Ltmp1:
0x190: {  	_ = 	snop;
	(pc) =	sbr.rel @p0 .LBB2_1-.Ltmp1, $3  }
0x191: {  	_ =	sdelay $0x1  }
0x192: {  	[sflag:s16] =	ssyncset.done $0x0  }
0x193: {  	[sflag:s16] =	ssyncadd.s32 $0xFFFFFE00  }
0x194: {  	_ =	sfence.sel $0x180000  }
0x195: {  	[bflag:$0x0] =	sbarrier.arrive $0xFFFF  }
0x196: {  	_ =	strace $0x90000047  }
0x197: {  	s0 =	stileid.u32;
	[bflag:$0x2] =	sbarrier.arrive $0xFFFF  }
0x198: {  	p0 =	sne.s32 s0, $0x0;
	s0 =	rddreg [dreg:$0x5]  }
0x199: {  	s0 =	sadd.s32 @!p0 $0x100000, s0  }
0x19a: {  	[sflag:s0] =	ssyncadd.tile.s32 @!p0 $0x1;
	_ =	shalt  }
.Lfunc_end2:
_tile_overlayer_lowered:
.L_overlay_start_2:
0x19b: {  	(tag) =	ssettag $0x2  }
0x19c: {  	s0 =	rddreg [dreg:$0x0];
	s2 =	stileid.u32  }
0x19d: {  	s1 =	rddreg [dreg:$0x1];
	p0 =	sne.s32 s2, $0x0  }
0x19e: {  	s3 =	rddreg [dreg:$0x2];
	[bflag:$0x3] =	sbarrier.arrive $0xFFFF;
	s2 =	simm.s32 @!p0 $0x1C0A  }
0x19f: {  	[timem:s3], [sflag:s2] =	dma.local @!p0 [hbm:s0], s1  }
0x1a0: {  	s0 =	simm.s32 @!p0 $0xA  }
0x1a1: {  	_ =	swait.ge @!p0 [sflag:s0], s1  }
0x1a2: {  	s1 =	ssub.s32 @!p0 $0x0, s1;
	[sflag:s0] =	ssyncset.done @!p0 $0x0  }
0x1a3: {  	[sflag:s0] =	ssyncadd.s32 @!p0 s1  }
0x1a4: {  	[bflag:$0x3] =	sbarrier.arrive $0xFFFF  }
0x1a5: {  	_ =	shalt  }

</sc_bundles>
